<compile_context>
chip_gen: v7x
topology: tpu7x:2x2x1
jax: 0.10.2.dev20260603
libtpu: 0.0.44.dev20260713+nightly
codegen_flags: <defaults>
</compile_context>

<pallas_src>
import functools

import jax
import jax.numpy as jnp
from jax import lax
from jax.experimental import pallas as pl
from jax.experimental.pallas import tpu as pltpu
from jax.experimental.pallas import tpu_sc as plsc

NUM_CLASSES = 1024
FEAT_DIM = 256
BATCH = 4096
K = 15
BLK = 512
PAD = 1 << 30
E_MIN = 0.9 ** 10
NW = 32
ROWS_PER_TILE = NUM_CLASSES // NW



def _sqdist(x, cvs):
    x2 = jnp.sum(x * x, axis=1, keepdims=True)
    c2 = jnp.sum(cvs * cvs, axis=1)[None, :]
    xc = lax.dot_general(x, cvs, (((1,), (1,)), ((), ())),
                         preferred_element_type=jnp.float32)
    return x2 + c2 - 2.0 * xc


def _topk_body(x_ref, cvs_ref, topk_ref, xcvs_ref):
    x = x_ref[...]
    cvs = cvs_ref[...]
    sq = _sqdist(x, cvs)
    xcvs_ref[...] = jnp.maximum(sq, 1e-12)
    colid = lax.broadcasted_iota(jnp.int32, (BLK, NUM_CLASSES), 1)
    kcol = lax.broadcasted_iota(jnp.int32, (BLK, 16), 1)
    w = sq
    out = jnp.full((BLK, 16), PAD, jnp.int32)
    idx0 = None
    for k in range(K):
        m = jnp.min(w, axis=1, keepdims=True)
        idx = jnp.min(jnp.where(w == m, colid, NUM_CLASSES), axis=1,
                      keepdims=True)
        if k == 0:
            idx0 = idx
        out = jnp.where(kcol == k, idx0 * NUM_CLASSES + idx, out)
        w = jnp.where(colid == idx, jnp.inf, w)
    topk_ref[...] = out


def _stage_a(x, cvs):
    return pl.pallas_call(
        _topk_body,
        grid=(BATCH // BLK,),
        in_specs=[
            pl.BlockSpec((BLK, FEAT_DIM), lambda i: (i, 0)),
            pl.BlockSpec((NUM_CLASSES, FEAT_DIM), lambda i: (0, 0)),
        ],
        out_specs=[
            pl.BlockSpec((BLK, 16), lambda i: (i, 0)),
            pl.BlockSpec((BLK, NUM_CLASSES), lambda i: (i, 0)),
        ],
        out_shape=[
            jax.ShapeDtypeStruct((BATCH, 16), jnp.int32),
            jax.ShapeDtypeStruct((BATCH, NUM_CLASSES), jnp.float32),
        ],
    )(x, cvs)



def _sc_scatter_body(pairs_hbm, cce_hbm, pairs_v, buf_v, sem):
    wid = lax.axis_index("c") * 16 + lax.axis_index("s")
    base_row = wid * ROWS_PER_TILE
    cp = pltpu.async_copy(pairs_hbm, pairs_v, sem)

    zeros16 = jnp.zeros((16,), jnp.float32)

    @plsc.parallel_loop(0, ROWS_PER_TILE * NUM_CLASSES // 16, unroll=8)
    def _zero(i):
        buf_v[pl.ds(i * 16, 16)] = zeros16

    cp.wait()

    ones = jnp.ones((16,), jnp.float32)
    lo = base_row * NUM_CLASSES
    span = ROWS_PER_TILE * NUM_CLASSES

    @plsc.parallel_loop(0, BATCH, unroll=16)
    def _scatter(s):
        vec = pairs_v[pl.ds(s * 16, 16)]
        local = vec - lo
        mask = plsc.bitcast(local, jnp.uint32) < jnp.uint32(span)
        safe = jnp.where(mask, local, 0)
        plsc.addupdate_scatter(buf_v, [safe], ones, mask=mask)
    pltpu.sync_copy(
        buf_v,
        cce_hbm.at[pl.ds(base_row * NUM_CLASSES, ROWS_PER_TILE * NUM_CLASSES)])


@functools.lru_cache(maxsize=None)
def _make_sc_scatter():
    mesh = plsc.VectorSubcoreMesh(core_axis_name="c", subcore_axis_name="s")
    return pl.kernel(
        _sc_scatter_body,
        mesh=mesh,
        out_type=jax.ShapeDtypeStruct((NUM_CLASSES * NUM_CLASSES,),
                                      jnp.float32),
        scratch_types=[
            pltpu.VMEM((BATCH * 16,), jnp.int32),
            pltpu.VMEM((ROWS_PER_TILE * NUM_CLASSES,), jnp.float32),
            pltpu.SemaphoreType.DMA,
        ],
        compiler_params=pltpu.CompilerParams(needs_layout_passes=False),
    )



_GB = BATCH // NW
_HALF = _GB // 2


def _sc_gather_body(cce_hbm, labels_hbm, out_hbm, idx_v, rows_v, sem):
    wid = lax.axis_index("c") * 16 + lax.axis_index("s")
    base = wid * _HALF
    pltpu.sync_copy(labels_hbm.at[pl.ds(base, _HALF)], idx_v)
    pltpu.async_copy(cce_hbm.at[idx_v], rows_v, sem).wait()
    pltpu.sync_copy(rows_v, out_hbm.at[pl.ds(base, _HALF)])


@functools.lru_cache(maxsize=None)
def _make_sc_gather():
    mesh = plsc.VectorSubcoreMesh(core_axis_name="c", subcore_axis_name="s")
    return pl.kernel(
        _sc_gather_body,
        mesh=mesh,
        out_type=jax.ShapeDtypeStruct((BATCH // 2, NUM_CLASSES), jnp.float32),
        scratch_types=[
            pltpu.VMEM((_HALF,), jnp.int32),
            pltpu.VMEM((_HALF, NUM_CLASSES), jnp.float32),
            pltpu.SemaphoreType.DMA,
        ],
        compiler_params=pltpu.CompilerParams(needs_layout_passes=False),
    )



def _loss_body(xcvs_ref, gath_ref, lab_ref, out_ref):
    i = pl.program_id(0)
    xc = xcvs_ref[...]
    g = gath_ref[...]
    lab = lab_ref[...]
    colid = lax.broadcasted_iota(jnp.int32, (BLK, NUM_CLASSES), 1)
    scale = jnp.sum(jnp.where(colid == lab, xc, 0.0), axis=1)
    visited = jnp.sum(g, axis=1, keepdims=True) / 15.0
    enc = visited - g
    enc = enc * (enc > 0)
    eye = (colid == lab).astype(jnp.float32)
    exist = (g > 0.0).astype(jnp.float32)
    edges = jnp.maximum(eye, exist) * jnp.power(jnp.float32(0.9), enc)
    edges = edges * (1.0 - (edges < E_MIN).astype(jnp.float32))
    gm = ((edges > 0.0) & (colid != lab)).astype(jnp.float32)
    d_neg = xc * gm
    e = jnp.exp(-0.001 * d_neg) * (d_neg > 0.0)
    s = jnp.sum(e, axis=1)
    t = jnp.sum(e * d_neg, axis=1)
    mu = scale - jnp.where(s > 0.0, t / s, 0.0)
    part = jnp.sum(jnp.maximum(mu, 0.0))
    prev = jnp.where(i == 0, 0.0, out_ref[0, 0])
    out_ref[...] = jnp.reshape(prev + part, (1, 1))


def _stage_e(x_cvs, gath, labels2d, half):
    off = half * (BATCH // 2 // BLK)
    return pl.pallas_call(
        _loss_body,
        grid=(BATCH // 2 // BLK,),
        in_specs=[
            pl.BlockSpec((BLK, NUM_CLASSES), lambda i: (i + off, 0)),
            pl.BlockSpec((BLK, NUM_CLASSES), lambda i: (i, 0)),
            pl.BlockSpec((BLK, 1), lambda i: (i + off, 0)),
        ],
        out_specs=pl.BlockSpec((1, 1), lambda i: (0, 0)),
        out_shape=jax.ShapeDtypeStruct((1, 1), jnp.float32),
    )(x_cvs, gath, labels2d)



def kernel(x, labels, cvs):
    labels = labels.astype(jnp.int32)
    labels2d = labels.reshape(BATCH, 1)
    topk, x_cvs = _stage_a(x, cvs)
    pairs = topk.reshape(-1)
    cce = _make_sc_scatter()(pairs).reshape(NUM_CLASSES, NUM_CLASSES)
    gather = _make_sc_gather()
    half = BATCH // 2
    gath0 = gather(cce, labels[:half])
    gath1 = gather(cce, labels[half:])
    lossmat0 = _stage_e(x_cvs, gath0, labels2d, 0)
    lossmat1 = _stage_e(x_cvs, gath1, labels2d, 1)
    return (lossmat0[0, 0] + lossmat1[0, 0]) / jnp.float32(BATCH)

# --- scband reference (transcript-rebuilt; emitter-appended) ---
"""Pipeline reference for scband-navq-22333829939644 (READ-ONLY COPY).

The authoritative reference and input builder live on the scoring server;
editing this copy changes nothing except your own understanding.
"""

import jax, jax.numpy as jnp
import numpy as np

NUM_CLASSES = 1024
FEAT_DIM = 256
BATCH = 4096
K = 15


def _cdist(a, b):
    sq = jnp.sum(a * a, axis=1)[:, None] + jnp.sum(b * b, axis=1)[None, :] - 2.0 * (a @ b.T)
    return jnp.sqrt(jnp.maximum(sq, 1e-12))


def setup_inputs(seed: int = 0) -> dict:
    key = jax.random.key(seed)
    k1, k2, k3 = jax.random.split(key, 3)
    x = jax.random.normal(k1, (BATCH, FEAT_DIM), dtype=jnp.float32)
    labels = jax.random.randint(k2, (BATCH,), 0, NUM_CLASSES)
    cvs = jax.random.normal(k3, (NUM_CLASSES, FEAT_DIM), dtype=jnp.float32)
    return {"x": x, "labels": labels, "cvs": cvs}


def reference(x, labels, cvs):
    num_cvs = cvs.shape[0]
    epsilon = 0.9
    e_min = 0.9 ** 10
    edges = jnp.eye(num_cvs, dtype=jnp.float32)
    cv_connectedness = jnp.eye(num_cvs, dtype=jnp.float32)

    dist_to_cvs = _cdist(x, cvs)
    ordered_cvs = jnp.argsort(dist_to_cvs, axis=1)
    kth_closest_cvs = ordered_cvs[:, :K]
    closest_cvs = kth_closest_cvs[:, 0]

    visited_node_encounters = jnp.bincount(closest_cvs, length=num_cvs).astype(jnp.float32)
    encounters = jnp.broadcast_to(visited_node_encounters[:, None], (num_cvs, num_cvs))

    rows = jnp.repeat(closest_cvs, K)
    cols = kth_closest_cvs.reshape(-1)
    closest_cv_encounters = jnp.zeros((num_cvs, num_cvs), jnp.float32).at[rows, cols].add(1.0)

    closest_cvs_existence = closest_cv_encounters > 0
    enc = encounters - closest_cv_encounters
    enc = enc * (enc > 0).astype(jnp.float32)

    edges = jnp.maximum(edges, closest_cvs_existence.astype(jnp.float32))
    edges = edges * (epsilon ** enc)
    edges = edges * (1.0 - (edges < e_min).astype(jnp.float32))

    scale_factor = jnp.sum((x - cvs[labels]) ** 2, axis=1)
    x_cvs = dist_to_cvs ** 2
    d_pos = scale_factor

    neg_mask = jnp.logical_and(edges > 0, cv_connectedness < 1).astype(jnp.float32)
    d_neg = x_cvs * neg_mask[labels]

    exp_d_neg_neighbours = jnp.exp(-0.001 * d_neg) * (d_neg > 0).astype(jnp.float32)
    w_d_neg = exp_d_neg_neighbours / jnp.sum(exp_d_neg_neighbours, axis=1, keepdims=True)
    w_d_neg = jnp.where(jnp.isnan(w_d_neg), 0.0, w_d_neg)
    w_d_neg = jax.lax.stop_gradient(w_d_neg)

    mu = d_pos - jnp.sum(w_d_neg * d_neg, axis=1)
    loss = jnp.sum(jax.nn.relu(mu)) / x.shape[0]
    return loss

if __name__ == "__main__":
    import jax
    _d = setup_inputs()
    print(jax.jit(kernel)(*tuple(_d.values())))

</pallas_src>

<mosaic_0001>
#map = affine_map<(d0, d1) -> (0, 0)>
#map1 = affine_map<(d0, d1) -> (0)>
module attributes {stable_mosaic.version = 14 : i64} {
  func.func @_sc_gather_body(%arg0: i32, %arg1: i32, %arg2: memref<1024x1024xf32, #tpu.memory_space<hbm>>, %arg3: memref<2048xi32, #tpu.memory_space<hbm>>, %arg4: memref<2048x1024xf32, #tpu.memory_space<hbm>>, %arg5: memref<64xi32, #tpu.memory_space<vmem>>, %arg6: memref<64x1024xf32, #tpu.memory_space<vmem>>, %arg7: memref<!tpu.dma_semaphore, #tpu.memory_space<semaphore_mem>>) attributes {dimension_semantics = [#tpu.dimension_semantics<core_parallel>, #tpu.dimension_semantics<subcore_parallel>], iteration_bounds = array<i64: 2, 16>, scalar_prefetch = 0 : i64, scratch_operands = 3 : i64, tpu.core_type = #tpu.core_type<sc_vector_subcore>, window_params = [{transform_indices = #map}, {transform_indices = #map1}, {transform_indices = #map}]} {
    %mul3A = arith.constant 16 : i32
    %mul3A_0 = arith.muli %arg0, %mul3A : i32
    %add3A = arith.addi %mul3A_0, %arg1 : i32
    %mul3A_1 = arith.constant 64 : i32
    %mul3A_2 = arith.muli %add3A, %mul3A_1 : i32
    "tpu.region"() ({
      %run_scoped3A = tpu.sem_alloc : memref<!tpu.dma_semaphore, #tpu.memory_space<semaphore_mem>>
      %dma_start3A_7 = tpu.memref_slice %arg3[%mul3A_2] : memref<2048xi32, #tpu.memory_space<hbm>> -> memref<64xi32, #tpu.memory_space<hbm>>
      %dma_start3A_8 = tpu.memref_slice %arg3[%mul3A_2] : memref<2048xi32, #tpu.memory_space<hbm>> -> memref<64xi32, #tpu.memory_space<hbm>>
      tpu.enqueue_dma source(%dma_start3A_8 : memref<64xi32, #tpu.memory_space<hbm>>) target(%arg5 : memref<64xi32, #tpu.memory_space<vmem>>) target_semaphore(%run_scoped3A : memref<!tpu.dma_semaphore, #tpu.memory_space<semaphore_mem>>)
      %dma_wait3A_9 = tpu.memref_slice %arg3[%mul3A_2] : memref<2048xi32, #tpu.memory_space<hbm>> -> memref<64xi32, #tpu.memory_space<hbm>>
      %dma_wait3A_10 = tpu.memref_slice %arg3[%mul3A_2] : memref<2048xi32, #tpu.memory_space<hbm>> -> memref<64xi32, #tpu.memory_space<hbm>>
      tpu.wait_dma2 semaphore(%run_scoped3A : memref<!tpu.dma_semaphore, #tpu.memory_space<semaphore_mem>>) src(%dma_wait3A_10 : memref<64xi32, #tpu.memory_space<hbm>>) dst(%arg5 : memref<64xi32, #tpu.memory_space<vmem>>)
      tpu.yield
    }) : () -> ()
    %dma_start3A = arith.constant 0 : i32
    %dma_start3A_3 = arith.constant 0 : i32
    %dma_start3A_4 = tpu.memref_slice %arg2[%dma_start3A, %dma_start3A_3] : memref<1024x1024xf32, #tpu.memory_space<hbm>> -> memref<1024x1024xf32, #tpu.memory_space<hbm>>
    tpu.enqueue_indirect_dma source(%dma_start3A_4 : memref<1024x1024xf32, #tpu.memory_space<hbm>>) target(%arg6 : memref<64x1024xf32, #tpu.memory_space<vmem>>) offsets(%arg5 : memref<64xi32, #tpu.memory_space<vmem>>) semaphore(%arg7 : memref<!tpu.dma_semaphore, #tpu.memory_space<semaphore_mem>>)
    %dma_wait3A = arith.constant 0 : i32
    %dma_wait3A_5 = arith.constant 0 : i32
    %dma_wait3A_6 = tpu.memref_slice %arg2[%dma_wait3A, %dma_wait3A_5] : memref<1024x1024xf32, #tpu.memory_space<hbm>> -> memref<1024x1024xf32, #tpu.memory_space<hbm>>
    tpu.wait_indirect_dma semaphore(%arg7 : memref<!tpu.dma_semaphore, #tpu.memory_space<semaphore_mem>>) src(%dma_wait3A_6 : memref<1024x1024xf32, #tpu.memory_space<hbm>>) dst(%arg6 : memref<64x1024xf32, #tpu.memory_space<vmem>>)
    "tpu.region"() ({
      %run_scoped3A = tpu.sem_alloc : memref<!tpu.dma_semaphore, #tpu.memory_space<semaphore_mem>>
      %dma_start3A_7 = arith.constant 0 : i32
      %dma_start3A_8 = tpu.memref_slice %arg4[%mul3A_2, %dma_start3A_7] : memref<2048x1024xf32, #tpu.memory_space<hbm>> -> memref<64x1024xf32, #tpu.memory_space<hbm>>
      %dma_start3A_9 = arith.constant 0 : i32
      %dma_start3A_10 = tpu.memref_slice %arg4[%mul3A_2, %dma_start3A_9] : memref<2048x1024xf32, #tpu.memory_space<hbm>> -> memref<64x1024xf32, #tpu.memory_space<hbm>>
      tpu.enqueue_dma source(%arg6 : memref<64x1024xf32, #tpu.memory_space<vmem>>) target(%dma_start3A_10 : memref<64x1024xf32, #tpu.memory_space<hbm>>) target_semaphore(%run_scoped3A : memref<!tpu.dma_semaphore, #tpu.memory_space<semaphore_mem>>)
      %dma_wait3A_11 = arith.constant 0 : i32
      %dma_wait3A_12 = tpu.memref_slice %arg4[%mul3A_2, %dma_wait3A_11] : memref<2048x1024xf32, #tpu.memory_space<hbm>> -> memref<64x1024xf32, #tpu.memory_space<hbm>>
      %dma_wait3A_13 = arith.constant 0 : i32
      %dma_wait3A_14 = tpu.memref_slice %arg4[%mul3A_2, %dma_wait3A_13] : memref<2048x1024xf32, #tpu.memory_space<hbm>> -> memref<64x1024xf32, #tpu.memory_space<hbm>>
      tpu.wait_dma2 semaphore(%run_scoped3A : memref<!tpu.dma_semaphore, #tpu.memory_space<semaphore_mem>>) src(%arg6 : memref<64x1024xf32, #tpu.memory_space<vmem>>) dst(%dma_wait3A_14 : memref<64x1024xf32, #tpu.memory_space<hbm>>)
      tpu.yield
    }) : () -> ()
    return
  }
}

#map = affine_map<(d0, d1) -> (0)>
module attributes {stable_mosaic.version = 14 : i64} {
  func.func @_sc_scatter_body(%arg0: i32, %arg1: i32, %arg2: memref<65536xi32, #tpu.memory_space<hbm>>, %arg3: memref<1048576xf32, #tpu.memory_space<hbm>>, %arg4: memref<65536xi32, #tpu.memory_space<vmem>>, %arg5: memref<32768xf32, #tpu.memory_space<vmem>>, %arg6: memref<!tpu.dma_semaphore, #tpu.memory_space<semaphore_mem>>) attributes {dimension_semantics = [#tpu.dimension_semantics<core_parallel>, #tpu.dimension_semantics<subcore_parallel>], iteration_bounds = array<i64: 2, 16>, scalar_prefetch = 0 : i64, scratch_operands = 3 : i64, tpu.core_type = #tpu.core_type<sc_vector_subcore>, window_params = [{transform_indices = #map}, {transform_indices = #map}]} {
    %mul3A = arith.constant 16 : i32
    %mul3A_0 = arith.muli %arg0, %mul3A : i32
    %add3A = arith.addi %mul3A_0, %arg1 : i32
    %mul3A_1 = arith.constant 32 : i32
    %mul3A_2 = arith.muli %add3A, %mul3A_1 : i32
    tpu.enqueue_dma source(%arg2 : memref<65536xi32, #tpu.memory_space<hbm>>) target(%arg4 : memref<65536xi32, #tpu.memory_space<vmem>>) target_semaphore(%arg6 : memref<!tpu.dma_semaphore, #tpu.memory_space<semaphore_mem>>)
    %broadcast_in_dim3A = arith.constant 0.000000e+00 : f32
    %broadcast_in_dim3A_3 = vector.broadcast %broadcast_in_dim3A : f32 to vector<16xf32>
    %parallel_loop3A = arith.constant 0 : i32
    %parallel_loop3A_4 = arith.constant 2048 : i32
    %parallel_loop3A_5 = arith.constant 1 : i32
    scf.for %parallel_loop3A_15 = %parallel_loop3A to %parallel_loop3A_4 step %parallel_loop3A_5  : i32 {
      %parallel_loop3A_16 = arith.constant 16 : i32
      %parallel_loop3A_17 = arith.muli %parallel_loop3A_15, %parallel_loop3A_16 : i32
      %parallel_loop3A_18 = arith.index_cast %parallel_loop3A_17 : i32 to index
      %parallel_loop3A_19 = tpu.vector_load %arg5[%parallel_loop3A_18] {strides = array<i32>} : memref<32768xf32, #tpu.memory_space<vmem>>, vector<16xf32>,
      tpu.vector_store %arg5[%parallel_loop3A_18], %broadcast_in_dim3A_3 {strides = array<i32>} : memref<32768xf32, #tpu.memory_space<vmem>>, vector<16xf32>,
    } {sc.loop_unroll_factor = 8 : i64, sc.parallel_access}
    tpu.wait_dma2 semaphore(%arg6 : memref<!tpu.dma_semaphore, #tpu.memory_space<semaphore_mem>>) src(%arg2 : memref<65536xi32, #tpu.memory_space<hbm>>) dst(%arg4 : memref<65536xi32, #tpu.memory_space<vmem>>)
    %broadcast_in_dim3A_6 = arith.constant 1.000000e+00 : f32
    %broadcast_in_dim3A_7 = vector.broadcast %broadcast_in_dim3A_6 : f32 to vector<16xf32>
    %mul3A_8 = arith.constant 1024 : i32
    %mul3A_9 = arith.muli %mul3A_2, %mul3A_8 : i32
    %parallel_loop3A_10 = arith.constant 0 : i32
    %parallel_loop3A_11 = arith.constant 4096 : i32
    %parallel_loop3A_12 = arith.constant 1 : i32
    scf.for %parallel_loop3A_15 = %parallel_loop3A_10 to %parallel_loop3A_11 step %parallel_loop3A_12  : i32 {
      %parallel_loop3A_16 = arith.constant 16 : i32
      %parallel_loop3A_17 = arith.muli %parallel_loop3A_15, %parallel_loop3A_16 : i32
      %parallel_loop3A_18 = arith.index_cast %parallel_loop3A_17 : i32 to index
      %parallel_loop3A_19 = tpu.vector_load %arg4[%parallel_loop3A_18] {strides = array<i32>} : memref<65536xi32, #tpu.memory_space<vmem>>, vector<16xi32>,
      %parallel_loop3A_20 = vector.broadcast %mul3A_9 : i32 to vector<16xi32>
      %parallel_loop3A_21 = arith.subi %parallel_loop3A_19, %parallel_loop3A_20 : vector<16xi32>
      %parallel_loop3A_22 = vector.bitcast %parallel_loop3A_21 : vector<16xi32> to vector<16xi32>
      %parallel_loop3A_23 = arith.constant 32768 : i32
      %parallel_loop3A_24 = vector.broadcast %parallel_loop3A_23 : i32 to vector<16xi32>
      %parallel_loop3A_25 = arith.cmpi ult, %parallel_loop3A_22, %parallel_loop3A_24 : vector<16xi32>
      %parallel_loop3A_26 = arith.constant 0 : i32
      %parallel_loop3A_27 = vector.broadcast %parallel_loop3A_26 : i32 to vector<16xi32>
      %parallel_loop3A_28 = arith.select %parallel_loop3A_25, %parallel_loop3A_21, %parallel_loop3A_27 : vector<16xi1>, vector<16xi32>
      tpu.vector_store_idx %arg5[%parallel_loop3A_28], %broadcast_in_dim3A_7 masked %parallel_loop3A_25 {add = true} : memref<32768xf32, #tpu.memory_space<vmem>>[vector<16xi32>], vector<16xf32>, vector<16xi1>
    } {sc.loop_unroll_factor = 16 : i64, sc.parallel_access}
    %mul3A_13 = arith.constant 1024 : i32
    %mul3A_14 = arith.muli %mul3A_2, %mul3A_13 : i32
    "tpu.region"() ({
      %run_scoped3A = tpu.sem_alloc : memref<!tpu.dma_semaphore, #tpu.memory_space<semaphore_mem>>
      %dma_start3A = tpu.memref_slice %arg3[%mul3A_14] : memref<1048576xf32, #tpu.memory_space<hbm>> -> memref<32768xf32, #tpu.memory_space<hbm>>
      %dma_start3A_15 = tpu.memref_slice %arg3[%mul3A_14] : memref<1048576xf32, #tpu.memory_space<hbm>> -> memref<32768xf32, #tpu.memory_space<hbm>>
      tpu.enqueue_dma source(%arg5 : memref<32768xf32, #tpu.memory_space<vmem>>) target(%dma_start3A_15 : memref<32768xf32, #tpu.memory_space<hbm>>) target_semaphore(%run_scoped3A : memref<!tpu.dma_semaphore, #tpu.memory_space<semaphore_mem>>)
      %dma_wait3A = tpu.memref_slice %arg3[%mul3A_14] : memref<1048576xf32, #tpu.memory_space<hbm>> -> memref<32768xf32, #tpu.memory_space<hbm>>
      %dma_wait3A_16 = tpu.memref_slice %arg3[%mul3A_14] : memref<1048576xf32, #tpu.memory_space<hbm>> -> memref<32768xf32, #tpu.memory_space<hbm>>
      tpu.wait_dma2 semaphore(%run_scoped3A : memref<!tpu.dma_semaphore, #tpu.memory_space<semaphore_mem>>) src(%arg5 : memref<32768xf32, #tpu.memory_space<vmem>>) dst(%dma_wait3A_16 : memref<32768xf32, #tpu.memory_space<hbm>>)
      tpu.yield
    }) : () -> ()
    return
  }
}

#map = affine_map<(d0, d1) -> (0, 0)>
#map1 = affine_map<(d0, d1) -> (0)>
module attributes {stable_mosaic.version = 14 : i64} {
  func.func @_sc_gather_body(%arg0: i32, %arg1: i32, %arg2: memref<1024x1024xf32, #tpu.memory_space<hbm>>, %arg3: memref<2048xi32, #tpu.memory_space<hbm>>, %arg4: memref<2048x1024xf32, #tpu.memory_space<hbm>>, %arg5: memref<64xi32, #tpu.memory_space<vmem>>, %arg6: memref<64x1024xf32, #tpu.memory_space<vmem>>, %arg7: memref<!tpu.dma_semaphore, #tpu.memory_space<semaphore_mem>>) attributes {dimension_semantics = [#tpu.dimension_semantics<core_parallel>, #tpu.dimension_semantics<subcore_parallel>], iteration_bounds = array<i64: 2, 16>, scalar_prefetch = 0 : i64, scratch_operands = 3 : i64, tpu.core_type = #tpu.core_type<sc_vector_subcore>, window_params = [{transform_indices = #map}, {transform_indices = #map1}, {transform_indices = #map}]} {
    %mul3A = arith.constant 16 : i32
    %mul3A_0 = arith.muli %arg0, %mul3A : i32
    %add3A = arith.addi %mul3A_0, %arg1 : i32
    %mul3A_1 = arith.constant 64 : i32
    %mul3A_2 = arith.muli %add3A, %mul3A_1 : i32
    "tpu.region"() ({
      %run_scoped3A = tpu.sem_alloc : memref<!tpu.dma_semaphore, #tpu.memory_space<semaphore_mem>>
      %dma_start3A_7 = tpu.memref_slice %arg3[%mul3A_2] : memref<2048xi32, #tpu.memory_space<hbm>> -> memref<64xi32, #tpu.memory_space<hbm>>
      %dma_start3A_8 = tpu.memref_slice %arg3[%mul3A_2] : memref<2048xi32, #tpu.memory_space<hbm>> -> memref<64xi32, #tpu.memory_space<hbm>>
      tpu.enqueue_dma source(%dma_start3A_8 : memref<64xi32, #tpu.memory_space<hbm>>) target(%arg5 : memref<64xi32, #tpu.memory_space<vmem>>) target_semaphore(%run_scoped3A : memref<!tpu.dma_semaphore, #tpu.memory_space<semaphore_mem>>)
      %dma_wait3A_9 = tpu.memref_slice %arg3[%mul3A_2] : memref<2048xi32, #tpu.memory_space<hbm>> -> memref<64xi32, #tpu.memory_space<hbm>>
      %dma_wait3A_10 = tpu.memref_slice %arg3[%mul3A_2] : memref<2048xi32, #tpu.memory_space<hbm>> -> memref<64xi32, #tpu.memory_space<hbm>>
      tpu.wait_dma2 semaphore(%run_scoped3A : memref<!tpu.dma_semaphore, #tpu.memory_space<semaphore_mem>>) src(%dma_wait3A_10 : memref<64xi32, #tpu.memory_space<hbm>>) dst(%arg5 : memref<64xi32, #tpu.memory_space<vmem>>)
      tpu.yield
    }) : () -> ()
    %dma_start3A = arith.constant 0 : i32
    %dma_start3A_3 = arith.constant 0 : i32
    %dma_start3A_4 = tpu.memref_slice %arg2[%dma_start3A, %dma_start3A_3] : memref<1024x1024xf32, #tpu.memory_space<hbm>> -> memref<1024x1024xf32, #tpu.memory_space<hbm>>
    tpu.enqueue_indirect_dma source(%dma_start3A_4 : memref<1024x1024xf32, #tpu.memory_space<hbm>>) target(%arg6 : memref<64x1024xf32, #tpu.memory_space<vmem>>) offsets(%arg5 : memref<64xi32, #tpu.memory_space<vmem>>) semaphore(%arg7 : memref<!tpu.dma_semaphore, #tpu.memory_space<semaphore_mem>>)
    %dma_wait3A = arith.constant 0 : i32
    %dma_wait3A_5 = arith.constant 0 : i32
    %dma_wait3A_6 = tpu.memref_slice %arg2[%dma_wait3A, %dma_wait3A_5] : memref<1024x1024xf32, #tpu.memory_space<hbm>> -> memref<1024x1024xf32, #tpu.memory_space<hbm>>
    tpu.wait_indirect_dma semaphore(%arg7 : memref<!tpu.dma_semaphore, #tpu.memory_space<semaphore_mem>>) src(%dma_wait3A_6 : memref<1024x1024xf32, #tpu.memory_space<hbm>>) dst(%arg6 : memref<64x1024xf32, #tpu.memory_space<vmem>>)
    "tpu.region"() ({
      %run_scoped3A = tpu.sem_alloc : memref<!tpu.dma_semaphore, #tpu.memory_space<semaphore_mem>>
      %dma_start3A_7 = arith.constant 0 : i32
      %dma_start3A_8 = tpu.memref_slice %arg4[%mul3A_2, %dma_start3A_7] : memref<2048x1024xf32, #tpu.memory_space<hbm>> -> memref<64x1024xf32, #tpu.memory_space<hbm>>
      %dma_start3A_9 = arith.constant 0 : i32
      %dma_start3A_10 = tpu.memref_slice %arg4[%mul3A_2, %dma_start3A_9] : memref<2048x1024xf32, #tpu.memory_space<hbm>> -> memref<64x1024xf32, #tpu.memory_space<hbm>>
      tpu.enqueue_dma source(%arg6 : memref<64x1024xf32, #tpu.memory_space<vmem>>) target(%dma_start3A_10 : memref<64x1024xf32, #tpu.memory_space<hbm>>) target_semaphore(%run_scoped3A : memref<!tpu.dma_semaphore, #tpu.memory_space<semaphore_mem>>)
      %dma_wait3A_11 = arith.constant 0 : i32
      %dma_wait3A_12 = tpu.memref_slice %arg4[%mul3A_2, %dma_wait3A_11] : memref<2048x1024xf32, #tpu.memory_space<hbm>> -> memref<64x1024xf32, #tpu.memory_space<hbm>>
      %dma_wait3A_13 = arith.constant 0 : i32
      %dma_wait3A_14 = tpu.memref_slice %arg4[%mul3A_2, %dma_wait3A_13] : memref<2048x1024xf32, #tpu.memory_space<hbm>> -> memref<64x1024xf32, #tpu.memory_space<hbm>>
      tpu.wait_dma2 semaphore(%run_scoped3A : memref<!tpu.dma_semaphore, #tpu.memory_space<semaphore_mem>>) src(%arg6 : memref<64x1024xf32, #tpu.memory_space<vmem>>) dst(%dma_wait3A_14 : memref<64x1024xf32, #tpu.memory_space<hbm>>)
      tpu.yield
    }) : () -> ()
    return
  }
}

module attributes {stable_mosaic.version = 14 : i64} {
  func.func @_topk_body(%arg0: i32, %arg1: memref<512x256xf32, #tpu.memory_space<vmem>>, %arg2: memref<1024x256xf32, #tpu.memory_space<vmem>>, %arg3: memref<512x16xi32, #tpu.memory_space<vmem>>, %arg4: memref<512x1024xf32, #tpu.memory_space<vmem>>) attributes {dimension_semantics = [#tpu.dimension_semantics<arbitrary>], iteration_bounds = array<i64: 8>, scalar_prefetch = 0 : i64, scratch_operands = 0 : i64, tpu.core_type = #tpu.core_type<tc>, window_params = [{transform_indices = @transform_0, window_bounds = array<i64: 512, 256>}, {pipeline_mode = #tpu.pipeline_mode<synchronous>, transform_indices = @transform_1, window_bounds = array<i64: 1024, 256>}, {transform_indices = @transform_2, window_bounds = array<i64: 512, 16>}, {transform_indices = @transform_3, window_bounds = array<i64: 512, 1024>}]} {
    %get3A = arith.constant 0 : index
    %get3A_0 = arith.constant 0 : index
    %get3A_1 = vector.load %arg1[%get3A, %get3A_0] : memref<512x256xf32, #tpu.memory_space<vmem>>, vector<512x256xf32>
    %get3A_2 = arith.constant 0 : index
    %get3A_3 = arith.constant 0 : index
    %get3A_4 = vector.load %arg2[%get3A_2, %get3A_3] : memref<1024x256xf32, #tpu.memory_space<vmem>>, vector<1024x256xf32>
    %mul3A = arith.mulf %get3A_1, %get3A_1 : vector<512x256xf32>
    %reduce_sum3A = arith.constant dense<0.000000e+00> : vector<512xf32>
    %reduce_sum3A_5 = vector.multi_reduction <add>, %mul3A, %reduce_sum3A [1] : vector<512x256xf32> to vector<512xf32>
    %broadcast_in_dim3A = vector.shape_cast %reduce_sum3A_5 : vector<512xf32> to vector<512x1xf32>
    %mul3A_6 = arith.mulf %get3A_4, %get3A_4 : vector<1024x256xf32>
    %reduce_sum3A_7 = arith.constant dense<0.000000e+00> : vector<1024xf32>
    %reduce_sum3A_8 = vector.multi_reduction <add>, %mul3A_6, %reduce_sum3A_7 [1] : vector<1024x256xf32> to vector<1024xf32>
    %broadcast_in_dim3A_9 = vector.shape_cast %reduce_sum3A_8 : vector<1024xf32> to vector<1x1024xf32>
    %dot_general3A = arith.constant dense<0.000000e+00> : vector<512x1024xf32>
    %dot_general3A_10 = tpu.matmul %get3A_1, %get3A_4, %dot_general3A {dimension_numbers = #tpu.dot_dimension_numbers<[1], [1], [0], [0], [0, 0, 1, 0], [], []>, transpose_lhs_hint = false} : vector<512x256xf32>, vector<1024x256xf32>, vector<512x1024xf32> -> vector<512x1024xf32>
    %add3A = vector.broadcast %broadcast_in_dim3A : vector<512x1xf32> to vector<512x1024xf32>
    %add3A_11 = vector.broadcast %broadcast_in_dim3A_9 : vector<1x1024xf32> to vector<512x1024xf32>
    %add3A_12 = arith.addf %add3A, %add3A_11 : vector<512x1024xf32>
    %mul3A_13 = arith.constant 2.000000e+00 : f32
    %mul3A_14 = vector.broadcast %mul3A_13 : f32 to vector<512x1024xf32>
    %mul3A_15 = arith.mulf %mul3A_14, %dot_general3A_10 : vector<512x1024xf32>
    %sub3A = arith.subf %add3A_12, %mul3A_15 : vector<512x1024xf32>
    %max3A = arith.constant 9.99999996E-13 : f32
    %max3A_16 = vector.broadcast %max3A : f32 to vector<512x1024xf32>
    %max3A_17 = arith.maximumf %sub3A, %max3A_16 : vector<512x1024xf32>
    %swap3A = arith.constant 0 : index
    %swap3A_18 = arith.constant 0 : index
    %swap3A_19 = vector.load %arg4[%swap3A, %swap3A_18] : memref<512x1024xf32, #tpu.memory_space<vmem>>, vector<512x1024xf32>
    tpu.vector_store %arg4[%swap3A, %swap3A_18], %max3A_17 {strides = array<i32>} : memref<512x1024xf32, #tpu.memory_space<vmem>>, vector<512x1024xf32>,
    %iota3A = tpu.iota {dimensions = array<i32: 1>} : vector<512x1024xi32>
    %iota3A_20 = tpu.iota {dimensions = array<i32: 1>} : vector<512x16xi32>
    %broadcast_in_dim3A_21 = arith.constant 1073741824 : i32
    %broadcast_in_dim3A_22 = vector.broadcast %broadcast_in_dim3A_21 : i32 to vector<512x16xi32>
    %reduce_min3A = arith.constant dense<0x7F800000> : vector<512xf32>
    %reduce_min3A_23 = vector.multi_reduction <minimumf>, %sub3A, %reduce_min3A [1] : vector<512x1024xf32> to vector<512xf32>
    %broadcast_in_dim3A_24 = vector.shape_cast %reduce_min3A_23 : vector<512xf32> to vector<512x1xf32>
    %eq3A = vector.broadcast %broadcast_in_dim3A_24 : vector<512x1xf32> to vector<512x1024xf32>
    %eq3A_25 = arith.cmpf oeq, %sub3A, %eq3A : vector<512x1024xf32>
    %jit3A = arith.constant 1024 : i32
    %broadcast_in_dim3A_26 = vector.broadcast %jit3A : i32 to vector<512x1024xi32>
    %select_n3A = arith.select %eq3A_25, %iota3A, %broadcast_in_dim3A_26 : vector<512x1024xi1>, vector<512x1024xi32>
    %reduce_min3A_27 = arith.constant dense<2147483647> : vector<512xi32>
    %reduce_min3A_28 = vector.multi_reduction <minsi>, %select_n3A, %reduce_min3A_27 [1] : vector<512x1024xi32> to vector<512xi32>
    %broadcast_in_dim3A_29 = vector.shape_cast %reduce_min3A_28 : vector<512xi32> to vector<512x1xi32>
    %eq3A_30 = arith.constant 0 : i32
    %eq3A_31 = vector.broadcast %eq3A_30 : i32 to vector<512x16xi32>
    %eq3A_32 = arith.cmpi eq, %iota3A_20, %eq3A_31 : vector<512x16xi32>
    %mul3A_33 = arith.constant 1024 : i32
    %mul3A_34 = vector.broadcast %mul3A_33 : i32 to vector<512x1xi32>
    %mul3A_35 = arith.muli %broadcast_in_dim3A_29, %mul3A_34 : vector<512x1xi32>
    %add3A_36 = arith.addi %mul3A_35, %broadcast_in_dim3A_29 : vector<512x1xi32>
    %broadcast_in_dim3A_37 = vector.shape_cast %add3A_36 : vector<512x1xi32> to vector<512x1xi32>
    %broadcast_in_dim3A_38 = vector.broadcast %broadcast_in_dim3A_37 : vector<512x1xi32> to vector<512x16xi32>
    %select_n3A_39 = arith.select %eq3A_32, %broadcast_in_dim3A_38, %broadcast_in_dim3A_22 : vector<512x16xi1>, vector<512x16xi32>
    %eq3A_40 = vector.broadcast %broadcast_in_dim3A_29 : vector<512x1xi32> to vector<512x1024xi32>
    %eq3A_41 = arith.cmpi eq, %iota3A, %eq3A_40 : vector<512x1024xi32>
    %jit3A_42 = arith.constant 0x7F800000 : f32
    %broadcast_in_dim3A_43 = vector.broadcast %jit3A_42 : f32 to vector<512x1024xf32>
    %select_n3A_44 = arith.select %eq3A_41, %broadcast_in_dim3A_43, %sub3A : vector<512x1024xi1>, vector<512x1024xf32>
    %reduce_min3A_45 = arith.constant dense<0x7F800000> : vector<512xf32>
    %reduce_min3A_46 = vector.multi_reduction <minimumf>, %select_n3A_44, %reduce_min3A_45 [1] : vector<512x1024xf32> to vector<512xf32>
    %broadcast_in_dim3A_47 = vector.shape_cast %reduce_min3A_46 : vector<512xf32> to vector<512x1xf32>
    %eq3A_48 = vector.broadcast %broadcast_in_dim3A_47 : vector<512x1xf32> to vector<512x1024xf32>
    %eq3A_49 = arith.cmpf oeq, %select_n3A_44, %eq3A_48 : vector<512x1024xf32>
    %jit3A_50 = arith.constant 1024 : i32
    %broadcast_in_dim3A_51 = vector.broadcast %jit3A_50 : i32 to vector<512x1024xi32>
    %select_n3A_52 = arith.select %eq3A_49, %iota3A, %broadcast_in_dim3A_51 : vector<512x1024xi1>, vector<512x1024xi32>
    %reduce_min3A_53 = arith.constant dense<2147483647> : vector<512xi32>
    %reduce_min3A_54 = vector.multi_reduction <minsi>, %select_n3A_52, %reduce_min3A_53 [1] : vector<512x1024xi32> to vector<512xi32>
    %broadcast_in_dim3A_55 = vector.shape_cast %reduce_min3A_54 : vector<512xi32> to vector<512x1xi32>
    %eq3A_56 = arith.constant 1 : i32
    %eq3A_57 = vector.broadcast %eq3A_56 : i32 to vector<512x16xi32>
    %eq3A_58 = arith.cmpi eq, %iota3A_20, %eq3A_57 : vector<512x16xi32>
    %mul3A_59 = arith.constant 1024 : i32
    %mul3A_60 = vector.broadcast %mul3A_59 : i32 to vector<512x1xi32>
    %mul3A_61 = arith.muli %broadcast_in_dim3A_29, %mul3A_60 : vector<512x1xi32>
    %add3A_62 = arith.addi %mul3A_61, %broadcast_in_dim3A_55 : vector<512x1xi32>
    %broadcast_in_dim3A_63 = vector.shape_cast %add3A_62 : vector<512x1xi32> to vector<512x1xi32>
    %broadcast_in_dim3A_64 = vector.broadcast %broadcast_in_dim3A_63 : vector<512x1xi32> to vector<512x16xi32>
    %select_n3A_65 = arith.select %eq3A_58, %broadcast_in_dim3A_64, %select_n3A_39 : vector<512x16xi1>, vector<512x16xi32>
    %eq3A_66 = vector.broadcast %broadcast_in_dim3A_55 : vector<512x1xi32> to vector<512x1024xi32>
    %eq3A_67 = arith.cmpi eq, %iota3A, %eq3A_66 : vector<512x1024xi32>
    %jit3A_68 = arith.constant 0x7F800000 : f32
    %broadcast_in_dim3A_69 = vector.broadcast %jit3A_68 : f32 to vector<512x1024xf32>
    %select_n3A_70 = arith.select %eq3A_67, %broadcast_in_dim3A_69, %select_n3A_44 : vector<512x1024xi1>, vector<512x1024xf32>
    %reduce_min3A_71 = arith.constant dense<0x7F800000> : vector<512xf32>
    %reduce_min3A_72 = vector.multi_reduction <minimumf>, %select_n3A_70, %reduce_min3A_71 [1] : vector<512x1024xf32> to vector<512xf32>
    %broadcast_in_dim3A_73 = vector.shape_cast %reduce_min3A_72 : vector<512xf32> to vector<512x1xf32>
    %eq3A_74 = vector.broadcast %broadcast_in_dim3A_73 : vector<512x1xf32> to vector<512x1024xf32>
    %eq3A_75 = arith.cmpf oeq, %select_n3A_70, %eq3A_74 : vector<512x1024xf32>
    %jit3A_76 = arith.constant 1024 : i32
    %broadcast_in_dim3A_77 = vector.broadcast %jit3A_76 : i32 to vector<512x1024xi32>
    %select_n3A_78 = arith.select %eq3A_75, %iota3A, %broadcast_in_dim3A_77 : vector<512x1024xi1>, vector<512x1024xi32>
    %reduce_min3A_79 = arith.constant dense<2147483647> : vector<512xi32>
    %reduce_min3A_80 = vector.multi_reduction <minsi>, %select_n3A_78, %reduce_min3A_79 [1] : vector<512x1024xi32> to vector<512xi32>
    %broadcast_in_dim3A_81 = vector.shape_cast %reduce_min3A_80 : vector<512xi32> to vector<512x1xi32>
    %eq3A_82 = arith.constant 2 : i32
    %eq3A_83 = vector.broadcast %eq3A_82 : i32 to vector<512x16xi32>
    %eq3A_84 = arith.cmpi eq, %iota3A_20, %eq3A_83 : vector<512x16xi32>
    %mul3A_85 = arith.constant 1024 : i32
    %mul3A_86 = vector.broadcast %mul3A_85 : i32 to vector<512x1xi32>
    %mul3A_87 = arith.muli %broadcast_in_dim3A_29, %mul3A_86 : vector<512x1xi32>
    %add3A_88 = arith.addi %mul3A_87, %broadcast_in_dim3A_81 : vector<512x1xi32>
    %broadcast_in_dim3A_89 = vector.shape_cast %add3A_88 : vector<512x1xi32> to vector<512x1xi32>
    %broadcast_in_dim3A_90 = vector.broadcast %broadcast_in_dim3A_89 : vector<512x1xi32> to vector<512x16xi32>
    %select_n3A_91 = arith.select %eq3A_84, %broadcast_in_dim3A_90, %select_n3A_65 : vector<512x16xi1>, vector<512x16xi32>
    %eq3A_92 = vector.broadcast %broadcast_in_dim3A_81 : vector<512x1xi32> to vector<512x1024xi32>
    %eq3A_93 = arith.cmpi eq, %iota3A, %eq3A_92 : vector<512x1024xi32>
    %jit3A_94 = arith.constant 0x7F800000 : f32
    %broadcast_in_dim3A_95 = vector.broadcast %jit3A_94 : f32 to vector<512x1024xf32>
    %select_n3A_96 = arith.select %eq3A_93, %broadcast_in_dim3A_95, %select_n3A_70 : vector<512x1024xi1>, vector<512x1024xf32>
    %reduce_min3A_97 = arith.constant dense<0x7F800000> : vector<512xf32>
    %reduce_min3A_98 = vector.multi_reduction <minimumf>, %select_n3A_96, %reduce_min3A_97 [1] : vector<512x1024xf32> to vector<512xf32>
    %broadcast_in_dim3A_99 = vector.shape_cast %reduce_min3A_98 : vector<512xf32> to vector<512x1xf32>
    %eq3A_100 = vector.broadcast %broadcast_in_dim3A_99 : vector<512x1xf32> to vector<512x1024xf32>
    %eq3A_101 = arith.cmpf oeq, %select_n3A_96, %eq3A_100 : vector<512x1024xf32>
    %jit3A_102 = arith.constant 1024 : i32
    %broadcast_in_dim3A_103 = vector.broadcast %jit3A_102 : i32 to vector<512x1024xi32>
    %select_n3A_104 = arith.select %eq3A_101, %iota3A, %broadcast_in_dim3A_103 : vector<512x1024xi1>, vector<512x1024xi32>
    %reduce_min3A_105 = arith.constant dense<2147483647> : vector<512xi32>
    %reduce_min3A_106 = vector.multi_reduction <minsi>, %select_n3A_104, %reduce_min3A_105 [1] : vector<512x1024xi32> to vector<512xi32>
    %broadcast_in_dim3A_107 = vector.shape_cast %reduce_min3A_106 : vector<512xi32> to vector<512x1xi32>
    %eq3A_108 = arith.constant 3 : i32
    %eq3A_109 = vector.broadcast %eq3A_108 : i32 to vector<512x16xi32>
    %eq3A_110 = arith.cmpi eq, %iota3A_20, %eq3A_109 : vector<512x16xi32>
    %mul3A_111 = arith.constant 1024 : i32
    %mul3A_112 = vector.broadcast %mul3A_111 : i32 to vector<512x1xi32>
    %mul3A_113 = arith.muli %broadcast_in_dim3A_29, %mul3A_112 : vector<512x1xi32>
    %add3A_114 = arith.addi %mul3A_113, %broadcast_in_dim3A_107 : vector<512x1xi32>
    %broadcast_in_dim3A_115 = vector.shape_cast %add3A_114 : vector<512x1xi32> to vector<512x1xi32>
    %broadcast_in_dim3A_116 = vector.broadcast %broadcast_in_dim3A_115 : vector<512x1xi32> to vector<512x16xi32>
    %select_n3A_117 = arith.select %eq3A_110, %broadcast_in_dim3A_116, %select_n3A_91 : vector<512x16xi1>, vector<512x16xi32>
    %eq3A_118 = vector.broadcast %broadcast_in_dim3A_107 : vector<512x1xi32> to vector<512x1024xi32>
    %eq3A_119 = arith.cmpi eq, %iota3A, %eq3A_118 : vector<512x1024xi32>
    %jit3A_120 = arith.constant 0x7F800000 : f32
    %broadcast_in_dim3A_121 = vector.broadcast %jit3A_120 : f32 to vector<512x1024xf32>
    %select_n3A_122 = arith.select %eq3A_119, %broadcast_in_dim3A_121, %select_n3A_96 : vector<512x1024xi1>, vector<512x1024xf32>
    %reduce_min3A_123 = arith.constant dense<0x7F800000> : vector<512xf32>
    %reduce_min3A_124 = vector.multi_reduction <minimumf>, %select_n3A_122, %reduce_min3A_123 [1] : vector<512x1024xf32> to vector<512xf32>
    %broadcast_in_dim3A_125 = vector.shape_cast %reduce_min3A_124 : vector<512xf32> to vector<512x1xf32>
    %eq3A_126 = vector.broadcast %broadcast_in_dim3A_125 : vector<512x1xf32> to vector<512x1024xf32>
    %eq3A_127 = arith.cmpf oeq, %select_n3A_122, %eq3A_126 : vector<512x1024xf32>
    %jit3A_128 = arith.constant 1024 : i32
    %broadcast_in_dim3A_129 = vector.broadcast %jit3A_128 : i32 to vector<512x1024xi32>
    %select_n3A_130 = arith.select %eq3A_127, %iota3A, %broadcast_in_dim3A_129 : vector<512x1024xi1>, vector<512x1024xi32>
    %reduce_min3A_131 = arith.constant dense<2147483647> : vector<512xi32>
    %reduce_min3A_132 = vector.multi_reduction <minsi>, %select_n3A_130, %reduce_min3A_131 [1] : vector<512x1024xi32> to vector<512xi32>
    %broadcast_in_dim3A_133 = vector.shape_cast %reduce_min3A_132 : vector<512xi32> to vector<512x1xi32>
    %eq3A_134 = arith.constant 4 : i32
    %eq3A_135 = vector.broadcast %eq3A_134 : i32 to vector<512x16xi32>
    %eq3A_136 = arith.cmpi eq, %iota3A_20, %eq3A_135 : vector<512x16xi32>
    %mul3A_137 = arith.constant 1024 : i32
    %mul3A_138 = vector.broadcast %mul3A_137 : i32 to vector<512x1xi32>
    %mul3A_139 = arith.muli %broadcast_in_dim3A_29, %mul3A_138 : vector<512x1xi32>
    %add3A_140 = arith.addi %mul3A_139, %broadcast_in_dim3A_133 : vector<512x1xi32>
    %broadcast_in_dim3A_141 = vector.shape_cast %add3A_140 : vector<512x1xi32> to vector<512x1xi32>
    %broadcast_in_dim3A_142 = vector.broadcast %broadcast_in_dim3A_141 : vector<512x1xi32> to vector<512x16xi32>
    %select_n3A_143 = arith.select %eq3A_136, %broadcast_in_dim3A_142, %select_n3A_117 : vector<512x16xi1>, vector<512x16xi32>
    %eq3A_144 = vector.broadcast %broadcast_in_dim3A_133 : vector<512x1xi32> to vector<512x1024xi32>
    %eq3A_145 = arith.cmpi eq, %iota3A, %eq3A_144 : vector<512x1024xi32>
    %jit3A_146 = arith.constant 0x7F800000 : f32
    %broadcast_in_dim3A_147 = vector.broadcast %jit3A_146 : f32 to vector<512x1024xf32>
    %select_n3A_148 = arith.select %eq3A_145, %broadcast_in_dim3A_147, %select_n3A_122 : vector<512x1024xi1>, vector<512x1024xf32>
    %reduce_min3A_149 = arith.constant dense<0x7F800000> : vector<512xf32>
    %reduce_min3A_150 = vector.multi_reduction <minimumf>, %select_n3A_148, %reduce_min3A_149 [1] : vector<512x1024xf32> to vector<512xf32>
    %broadcast_in_dim3A_151 = vector.shape_cast %reduce_min3A_150 : vector<512xf32> to vector<512x1xf32>
    %eq3A_152 = vector.broadcast %broadcast_in_dim3A_151 : vector<512x1xf32> to vector<512x1024xf32>
    %eq3A_153 = arith.cmpf oeq, %select_n3A_148, %eq3A_152 : vector<512x1024xf32>
    %jit3A_154 = arith.constant 1024 : i32
    %broadcast_in_dim3A_155 = vector.broadcast %jit3A_154 : i32 to vector<512x1024xi32>
    %select_n3A_156 = arith.select %eq3A_153, %iota3A, %broadcast_in_dim3A_155 : vector<512x1024xi1>, vector<512x1024xi32>
    %reduce_min3A_157 = arith.constant dense<2147483647> : vector<512xi32>
    %reduce_min3A_158 = vector.multi_reduction <minsi>, %select_n3A_156, %reduce_min3A_157 [1] : vector<512x1024xi32> to vector<512xi32>
    %broadcast_in_dim3A_159 = vector.shape_cast %reduce_min3A_158 : vector<512xi32> to vector<512x1xi32>
    %eq3A_160 = arith.constant 5 : i32
    %eq3A_161 = vector.broadcast %eq3A_160 : i32 to vector<512x16xi32>
    %eq3A_162 = arith.cmpi eq, %iota3A_20, %eq3A_161 : vector<512x16xi32>
    %mul3A_163 = arith.constant 1024 : i32
    %mul3A_164 = vector.broadcast %mul3A_163 : i32 to vector<512x1xi32>
    %mul3A_165 = arith.muli %broadcast_in_dim3A_29, %mul3A_164 : vector<512x1xi32>
    %add3A_166 = arith.addi %mul3A_165, %broadcast_in_dim3A_159 : vector<512x1xi32>
    %broadcast_in_dim3A_167 = vector.shape_cast %add3A_166 : vector<512x1xi32> to vector<512x1xi32>
    %broadcast_in_dim3A_168 = vector.broadcast %broadcast_in_dim3A_167 : vector<512x1xi32> to vector<512x16xi32>
    %select_n3A_169 = arith.select %eq3A_162, %broadcast_in_dim3A_168, %select_n3A_143 : vector<512x16xi1>, vector<512x16xi32>
    %eq3A_170 = vector.broadcast %broadcast_in_dim3A_159 : vector<512x1xi32> to vector<512x1024xi32>
    %eq3A_171 = arith.cmpi eq, %iota3A, %eq3A_170 : vector<512x1024xi32>
    %jit3A_172 = arith.constant 0x7F800000 : f32
    %broadcast_in_dim3A_173 = vector.broadcast %jit3A_172 : f32 to vector<512x1024xf32>
    %select_n3A_174 = arith.select %eq3A_171, %broadcast_in_dim3A_173, %select_n3A_148 : vector<512x1024xi1>, vector<512x1024xf32>
    %reduce_min3A_175 = arith.constant dense<0x7F800000> : vector<512xf32>
    %reduce_min3A_176 = vector.multi_reduction <minimumf>, %select_n3A_174, %reduce_min3A_175 [1] : vector<512x1024xf32> to vector<512xf32>
    %broadcast_in_dim3A_177 = vector.shape_cast %reduce_min3A_176 : vector<512xf32> to vector<512x1xf32>
    %eq3A_178 = vector.broadcast %broadcast_in_dim3A_177 : vector<512x1xf32> to vector<512x1024xf32>
    %eq3A_179 = arith.cmpf oeq, %select_n3A_174, %eq3A_178 : vector<512x1024xf32>
    %jit3A_180 = arith.constant 1024 : i32
    %broadcast_in_dim3A_181 = vector.broadcast %jit3A_180 : i32 to vector<512x1024xi32>
    %select_n3A_182 = arith.select %eq3A_179, %iota3A, %broadcast_in_dim3A_181 : vector<512x1024xi1>, vector<512x1024xi32>
    %reduce_min3A_183 = arith.constant dense<2147483647> : vector<512xi32>
    %reduce_min3A_184 = vector.multi_reduction <minsi>, %select_n3A_182, %reduce_min3A_183 [1] : vector<512x1024xi32> to vector<512xi32>
    %broadcast_in_dim3A_185 = vector.shape_cast %reduce_min3A_184 : vector<512xi32> to vector<512x1xi32>
    %eq3A_186 = arith.constant 6 : i32
    %eq3A_187 = vector.broadcast %eq3A_186 : i32 to vector<512x16xi32>
    %eq3A_188 = arith.cmpi eq, %iota3A_20, %eq3A_187 : vector<512x16xi32>
    %mul3A_189 = arith.constant 1024 : i32
    %mul3A_190 = vector.broadcast %mul3A_189 : i32 to vector<512x1xi32>
    %mul3A_191 = arith.muli %broadcast_in_dim3A_29, %mul3A_190 : vector<512x1xi32>
    %add3A_192 = arith.addi %mul3A_191, %broadcast_in_dim3A_185 : vector<512x1xi32>
    %broadcast_in_dim3A_193 = vector.shape_cast %add3A_192 : vector<512x1xi32> to vector<512x1xi32>
    %broadcast_in_dim3A_194 = vector.broadcast %broadcast_in_dim3A_193 : vector<512x1xi32> to vector<512x16xi32>
    %select_n3A_195 = arith.select %eq3A_188, %broadcast_in_dim3A_194, %select_n3A_169 : vector<512x16xi1>, vector<512x16xi32>
    %eq3A_196 = vector.broadcast %broadcast_in_dim3A_185 : vector<512x1xi32> to vector<512x1024xi32>
    %eq3A_197 = arith.cmpi eq, %iota3A, %eq3A_196 : vector<512x1024xi32>
    %jit3A_198 = arith.constant 0x7F800000 : f32
    %broadcast_in_dim3A_199 = vector.broadcast %jit3A_198 : f32 to vector<512x1024xf32>
    %select_n3A_200 = arith.select %eq3A_197, %broadcast_in_dim3A_199, %select_n3A_174 : vector<512x1024xi1>, vector<512x1024xf32>
    %reduce_min3A_201 = arith.constant dense<0x7F800000> : vector<512xf32>
    %reduce_min3A_202 = vector.multi_reduction <minimumf>, %select_n3A_200, %reduce_min3A_201 [1] : vector<512x1024xf32> to vector<512xf32>
    %broadcast_in_dim3A_203 = vector.shape_cast %reduce_min3A_202 : vector<512xf32> to vector<512x1xf32>
    %eq3A_204 = vector.broadcast %broadcast_in_dim3A_203 : vector<512x1xf32> to vector<512x1024xf32>
    %eq3A_205 = arith.cmpf oeq, %select_n3A_200, %eq3A_204 : vector<512x1024xf32>
    %jit3A_206 = arith.constant 1024 : i32
    %broadcast_in_dim3A_207 = vector.broadcast %jit3A_206 : i32 to vector<512x1024xi32>
    %select_n3A_208 = arith.select %eq3A_205, %iota3A, %broadcast_in_dim3A_207 : vector<512x1024xi1>, vector<512x1024xi32>
    %reduce_min3A_209 = arith.constant dense<2147483647> : vector<512xi32>
    %reduce_min3A_210 = vector.multi_reduction <minsi>, %select_n3A_208, %reduce_min3A_209 [1] : vector<512x1024xi32> to vector<512xi32>
    %broadcast_in_dim3A_211 = vector.shape_cast %reduce_min3A_210 : vector<512xi32> to vector<512x1xi32>
    %eq3A_212 = arith.constant 7 : i32
    %eq3A_213 = vector.broadcast %eq3A_212 : i32 to vector<512x16xi32>
    %eq3A_214 = arith.cmpi eq, %iota3A_20, %eq3A_213 : vector<512x16xi32>
    %mul3A_215 = arith.constant 1024 : i32
    %mul3A_216 = vector.broadcast %mul3A_215 : i32 to vector<512x1xi32>
    %mul3A_217 = arith.muli %broadcast_in_dim3A_29, %mul3A_216 : vector<512x1xi32>
    %add3A_218 = arith.addi %mul3A_217, %broadcast_in_dim3A_211 : vector<512x1xi32>
    %broadcast_in_dim3A_219 = vector.shape_cast %add3A_218 : vector<512x1xi32> to vector<512x1xi32>
    %broadcast_in_dim3A_220 = vector.broadcast %broadcast_in_dim3A_219 : vector<512x1xi32> to vector<512x16xi32>
    %select_n3A_221 = arith.select %eq3A_214, %broadcast_in_dim3A_220, %select_n3A_195 : vector<512x16xi1>, vector<512x16xi32>
    %eq3A_222 = vector.broadcast %broadcast_in_dim3A_211 : vector<512x1xi32> to vector<512x1024xi32>
    %eq3A_223 = arith.cmpi eq, %iota3A, %eq3A_222 : vector<512x1024xi32>
    %jit3A_224 = arith.constant 0x7F800000 : f32
    %broadcast_in_dim3A_225 = vector.broadcast %jit3A_224 : f32 to vector<512x1024xf32>
    %select_n3A_226 = arith.select %eq3A_223, %broadcast_in_dim3A_225, %select_n3A_200 : vector<512x1024xi1>, vector<512x1024xf32>
    %reduce_min3A_227 = arith.constant dense<0x7F800000> : vector<512xf32>
    %reduce_min3A_228 = vector.multi_reduction <minimumf>, %select_n3A_226, %reduce_min3A_227 [1] : vector<512x1024xf32> to vector<512xf32>
    %broadcast_in_dim3A_229 = vector.shape_cast %reduce_min3A_228 : vector<512xf32> to vector<512x1xf32>
    %eq3A_230 = vector.broadcast %broadcast_in_dim3A_229 : vector<512x1xf32> to vector<512x1024xf32>
    %eq3A_231 = arith.cmpf oeq, %select_n3A_226, %eq3A_230 : vector<512x1024xf32>
    %jit3A_232 = arith.constant 1024 : i32
    %broadcast_in_dim3A_233 = vector.broadcast %jit3A_232 : i32 to vector<512x1024xi32>
    %select_n3A_234 = arith.select %eq3A_231, %iota3A, %broadcast_in_dim3A_233 : vector<512x1024xi1>, vector<512x1024xi32>
    %reduce_min3A_235 = arith.constant dense<2147483647> : vector<512xi32>
    %reduce_min3A_236 = vector.multi_reduction <minsi>, %select_n3A_234, %reduce_min3A_235 [1] : vector<512x1024xi32> to vector<512xi32>
    %broadcast_in_dim3A_237 = vector.shape_cast %reduce_min3A_236 : vector<512xi32> to vector<512x1xi32>
    %eq3A_238 = arith.constant 8 : i32
    %eq3A_239 = vector.broadcast %eq3A_238 : i32 to vector<512x16xi32>
    %eq3A_240 = arith.cmpi eq, %iota3A_20, %eq3A_239 : vector<512x16xi32>
    %mul3A_241 = arith.constant 1024 : i32
    %mul3A_242 = vector.broadcast %mul3A_241 : i32 to vector<512x1xi32>
    %mul3A_243 = arith.muli %broadcast_in_dim3A_29, %mul3A_242 : vector<512x1xi32>
    %add3A_244 = arith.addi %mul3A_243, %broadcast_in_dim3A_237 : vector<512x1xi32>
    %broadcast_in_dim3A_245 = vector.shape_cast %add3A_244 : vector<512x1xi32> to vector<512x1xi32>
    %broadcast_in_dim3A_246 = vector.broadcast %broadcast_in_dim3A_245 : vector<512x1xi32> to vector<512x16xi32>
    %select_n3A_247 = arith.select %eq3A_240, %broadcast_in_dim3A_246, %select_n3A_221 : vector<512x16xi1>, vector<512x16xi32>
    %eq3A_248 = vector.broadcast %broadcast_in_dim3A_237 : vector<512x1xi32> to vector<512x1024xi32>
    %eq3A_249 = arith.cmpi eq, %iota3A, %eq3A_248 : vector<512x1024xi32>
    %jit3A_250 = arith.constant 0x7F800000 : f32
    %broadcast_in_dim3A_251 = vector.broadcast %jit3A_250 : f32 to vector<512x1024xf32>
    %select_n3A_252 = arith.select %eq3A_249, %broadcast_in_dim3A_251, %select_n3A_226 : vector<512x1024xi1>, vector<512x1024xf32>
    %reduce_min3A_253 = arith.constant dense<0x7F800000> : vector<512xf32>
    %reduce_min3A_254 = vector.multi_reduction <minimumf>, %select_n3A_252, %reduce_min3A_253 [1] : vector<512x1024xf32> to vector<512xf32>
    %broadcast_in_dim3A_255 = vector.shape_cast %reduce_min3A_254 : vector<512xf32> to vector<512x1xf32>
    %eq3A_256 = vector.broadcast %broadcast_in_dim3A_255 : vector<512x1xf32> to vector<512x1024xf32>
    %eq3A_257 = arith.cmpf oeq, %select_n3A_252, %eq3A_256 : vector<512x1024xf32>
    %jit3A_258 = arith.constant 1024 : i32
    %broadcast_in_dim3A_259 = vector.broadcast %jit3A_258 : i32 to vector<512x1024xi32>
    %select_n3A_260 = arith.select %eq3A_257, %iota3A, %broadcast_in_dim3A_259 : vector<512x1024xi1>, vector<512x1024xi32>
    %reduce_min3A_261 = arith.constant dense<2147483647> : vector<512xi32>
    %reduce_min3A_262 = vector.multi_reduction <minsi>, %select_n3A_260, %reduce_min3A_261 [1] : vector<512x1024xi32> to vector<512xi32>
    %broadcast_in_dim3A_263 = vector.shape_cast %reduce_min3A_262 : vector<512xi32> to vector<512x1xi32>
    %eq3A_264 = arith.constant 9 : i32
    %eq3A_265 = vector.broadcast %eq3A_264 : i32 to vector<512x16xi32>
    %eq3A_266 = arith.cmpi eq, %iota3A_20, %eq3A_265 : vector<512x16xi32>
    %mul3A_267 = arith.constant 1024 : i32
    %mul3A_268 = vector.broadcast %mul3A_267 : i32 to vector<512x1xi32>
    %mul3A_269 = arith.muli %broadcast_in_dim3A_29, %mul3A_268 : vector<512x1xi32>
    %add3A_270 = arith.addi %mul3A_269, %broadcast_in_dim3A_263 : vector<512x1xi32>
    %broadcast_in_dim3A_271 = vector.shape_cast %add3A_270 : vector<512x1xi32> to vector<512x1xi32>
    %broadcast_in_dim3A_272 = vector.broadcast %broadcast_in_dim3A_271 : vector<512x1xi32> to vector<512x16xi32>
    %select_n3A_273 = arith.select %eq3A_266, %broadcast_in_dim3A_272, %select_n3A_247 : vector<512x16xi1>, vector<512x16xi32>
    %eq3A_274 = vector.broadcast %broadcast_in_dim3A_263 : vector<512x1xi32> to vector<512x1024xi32>
    %eq3A_275 = arith.cmpi eq, %iota3A, %eq3A_274 : vector<512x1024xi32>
    %jit3A_276 = arith.constant 0x7F800000 : f32
    %broadcast_in_dim3A_277 = vector.broadcast %jit3A_276 : f32 to vector<512x1024xf32>
    %select_n3A_278 = arith.select %eq3A_275, %broadcast_in_dim3A_277, %select_n3A_252 : vector<512x1024xi1>, vector<512x1024xf32>
    %reduce_min3A_279 = arith.constant dense<0x7F800000> : vector<512xf32>
    %reduce_min3A_280 = vector.multi_reduction <minimumf>, %select_n3A_278, %reduce_min3A_279 [1] : vector<512x1024xf32> to vector<512xf32>
    %broadcast_in_dim3A_281 = vector.shape_cast %reduce_min3A_280 : vector<512xf32> to vector<512x1xf32>
    %eq3A_282 = vector.broadcast %broadcast_in_dim3A_281 : vector<512x1xf32> to vector<512x1024xf32>
    %eq3A_283 = arith.cmpf oeq, %select_n3A_278, %eq3A_282 : vector<512x1024xf32>
    %jit3A_284 = arith.constant 1024 : i32
    %broadcast_in_dim3A_285 = vector.broadcast %jit3A_284 : i32 to vector<512x1024xi32>
    %select_n3A_286 = arith.select %eq3A_283, %iota3A, %broadcast_in_dim3A_285 : vector<512x1024xi1>, vector<512x1024xi32>
    %reduce_min3A_287 = arith.constant dense<2147483647> : vector<512xi32>
    %reduce_min3A_288 = vector.multi_reduction <minsi>, %select_n3A_286, %reduce_min3A_287 [1] : vector<512x1024xi32> to vector<512xi32>
    %broadcast_in_dim3A_289 = vector.shape_cast %reduce_min3A_288 : vector<512xi32> to vector<512x1xi32>
    %eq3A_290 = arith.constant 10 : i32
    %eq3A_291 = vector.broadcast %eq3A_290 : i32 to vector<512x16xi32>
    %eq3A_292 = arith.cmpi eq, %iota3A_20, %eq3A_291 : vector<512x16xi32>
    %mul3A_293 = arith.constant 1024 : i32
    %mul3A_294 = vector.broadcast %mul3A_293 : i32 to vector<512x1xi32>
    %mul3A_295 = arith.muli %broadcast_in_dim3A_29, %mul3A_294 : vector<512x1xi32>
    %add3A_296 = arith.addi %mul3A_295, %broadcast_in_dim3A_289 : vector<512x1xi32>
    %broadcast_in_dim3A_297 = vector.shape_cast %add3A_296 : vector<512x1xi32> to vector<512x1xi32>
    %broadcast_in_dim3A_298 = vector.broadcast %broadcast_in_dim3A_297 : vector<512x1xi32> to vector<512x16xi32>
    %select_n3A_299 = arith.select %eq3A_292, %broadcast_in_dim3A_298, %select_n3A_273 : vector<512x16xi1>, vector<512x16xi32>
    %eq3A_300 = vector.broadcast %broadcast_in_dim3A_289 : vector<512x1xi32> to vector<512x1024xi32>
    %eq3A_301 = arith.cmpi eq, %iota3A, %eq3A_300 : vector<512x1024xi32>
    %jit3A_302 = arith.constant 0x7F800000 : f32
    %broadcast_in_dim3A_303 = vector.broadcast %jit3A_302 : f32 to vector<512x1024xf32>
    %select_n3A_304 = arith.select %eq3A_301, %broadcast_in_dim3A_303, %select_n3A_278 : vector<512x1024xi1>, vector<512x1024xf32>
    %reduce_min3A_305 = arith.constant dense<0x7F800000> : vector<512xf32>
    %reduce_min3A_306 = vector.multi_reduction <minimumf>, %select_n3A_304, %reduce_min3A_305 [1] : vector<512x1024xf32> to vector<512xf32>
    %broadcast_in_dim3A_307 = vector.shape_cast %reduce_min3A_306 : vector<512xf32> to vector<512x1xf32>
    %eq3A_308 = vector.broadcast %broadcast_in_dim3A_307 : vector<512x1xf32> to vector<512x1024xf32>
    %eq3A_309 = arith.cmpf oeq, %select_n3A_304, %eq3A_308 : vector<512x1024xf32>
    %jit3A_310 = arith.constant 1024 : i32
    %broadcast_in_dim3A_311 = vector.broadcast %jit3A_310 : i32 to vector<512x1024xi32>
    %select_n3A_312 = arith.select %eq3A_309, %iota3A, %broadcast_in_dim3A_311 : vector<512x1024xi1>, vector<512x1024xi32>
    %reduce_min3A_313 = arith.constant dense<2147483647> : vector<512xi32>
    %reduce_min3A_314 = vector.multi_reduction <minsi>, %select_n3A_312, %reduce_min3A_313 [1] : vector<512x1024xi32> to vector<512xi32>
    %broadcast_in_dim3A_315 = vector.shape_cast %reduce_min3A_314 : vector<512xi32> to vector<512x1xi32>
    %eq3A_316 = arith.constant 11 : i32
    %eq3A_317 = vector.broadcast %eq3A_316 : i32 to vector<512x16xi32>
    %eq3A_318 = arith.cmpi eq, %iota3A_20, %eq3A_317 : vector<512x16xi32>
    %mul3A_319 = arith.constant 1024 : i32
    %mul3A_320 = vector.broadcast %mul3A_319 : i32 to vector<512x1xi32>
    %mul3A_321 = arith.muli %broadcast_in_dim3A_29, %mul3A_320 : vector<512x1xi32>
    %add3A_322 = arith.addi %mul3A_321, %broadcast_in_dim3A_315 : vector<512x1xi32>
    %broadcast_in_dim3A_323 = vector.shape_cast %add3A_322 : vector<512x1xi32> to vector<512x1xi32>
    %broadcast_in_dim3A_324 = vector.broadcast %broadcast_in_dim3A_323 : vector<512x1xi32> to vector<512x16xi32>
    %select_n3A_325 = arith.select %eq3A_318, %broadcast_in_dim3A_324, %select_n3A_299 : vector<512x16xi1>, vector<512x16xi32>
    %eq3A_326 = vector.broadcast %broadcast_in_dim3A_315 : vector<512x1xi32> to vector<512x1024xi32>
    %eq3A_327 = arith.cmpi eq, %iota3A, %eq3A_326 : vector<512x1024xi32>
    %jit3A_328 = arith.constant 0x7F800000 : f32
    %broadcast_in_dim3A_329 = vector.broadcast %jit3A_328 : f32 to vector<512x1024xf32>
    %select_n3A_330 = arith.select %eq3A_327, %broadcast_in_dim3A_329, %select_n3A_304 : vector<512x1024xi1>, vector<512x1024xf32>
    %reduce_min3A_331 = arith.constant dense<0x7F800000> : vector<512xf32>
    %reduce_min3A_332 = vector.multi_reduction <minimumf>, %select_n3A_330, %reduce_min3A_331 [1] : vector<512x1024xf32> to vector<512xf32>
    %broadcast_in_dim3A_333 = vector.shape_cast %reduce_min3A_332 : vector<512xf32> to vector<512x1xf32>
    %eq3A_334 = vector.broadcast %broadcast_in_dim3A_333 : vector<512x1xf32> to vector<512x1024xf32>
    %eq3A_335 = arith.cmpf oeq, %select_n3A_330, %eq3A_334 : vector<512x1024xf32>
    %jit3A_336 = arith.constant 1024 : i32
    %broadcast_in_dim3A_337 = vector.broadcast %jit3A_336 : i32 to vector<512x1024xi32>
    %select_n3A_338 = arith.select %eq3A_335, %iota3A, %broadcast_in_dim3A_337 : vector<512x1024xi1>, vector<512x1024xi32>
    %reduce_min3A_339 = arith.constant dense<2147483647> : vector<512xi32>
    %reduce_min3A_340 = vector.multi_reduction <minsi>, %select_n3A_338, %reduce_min3A_339 [1] : vector<512x1024xi32> to vector<512xi32>
    %broadcast_in_dim3A_341 = vector.shape_cast %reduce_min3A_340 : vector<512xi32> to vector<512x1xi32>
    %eq3A_342 = arith.constant 12 : i32
    %eq3A_343 = vector.broadcast %eq3A_342 : i32 to vector<512x16xi32>
    %eq3A_344 = arith.cmpi eq, %iota3A_20, %eq3A_343 : vector<512x16xi32>
    %mul3A_345 = arith.constant 1024 : i32
    %mul3A_346 = vector.broadcast %mul3A_345 : i32 to vector<512x1xi32>
    %mul3A_347 = arith.muli %broadcast_in_dim3A_29, %mul3A_346 : vector<512x1xi32>
    %add3A_348 = arith.addi %mul3A_347, %broadcast_in_dim3A_341 : vector<512x1xi32>
    %broadcast_in_dim3A_349 = vector.shape_cast %add3A_348 : vector<512x1xi32> to vector<512x1xi32>
    %broadcast_in_dim3A_350 = vector.broadcast %broadcast_in_dim3A_349 : vector<512x1xi32> to vector<512x16xi32>
    %select_n3A_351 = arith.select %eq3A_344, %broadcast_in_dim3A_350, %select_n3A_325 : vector<512x16xi1>, vector<512x16xi32>
    %eq3A_352 = vector.broadcast %broadcast_in_dim3A_341 : vector<512x1xi32> to vector<512x1024xi32>
    %eq3A_353 = arith.cmpi eq, %iota3A, %eq3A_352 : vector<512x1024xi32>
    %jit3A_354 = arith.constant 0x7F800000 : f32
    %broadcast_in_dim3A_355 = vector.broadcast %jit3A_354 : f32 to vector<512x1024xf32>
    %select_n3A_356 = arith.select %eq3A_353, %broadcast_in_dim3A_355, %select_n3A_330 : vector<512x1024xi1>, vector<512x1024xf32>
    %reduce_min3A_357 = arith.constant dense<0x7F800000> : vector<512xf32>
    %reduce_min3A_358 = vector.multi_reduction <minimumf>, %select_n3A_356, %reduce_min3A_357 [1] : vector<512x1024xf32> to vector<512xf32>
    %broadcast_in_dim3A_359 = vector.shape_cast %reduce_min3A_358 : vector<512xf32> to vector<512x1xf32>
    %eq3A_360 = vector.broadcast %broadcast_in_dim3A_359 : vector<512x1xf32> to vector<512x1024xf32>
    %eq3A_361 = arith.cmpf oeq, %select_n3A_356, %eq3A_360 : vector<512x1024xf32>
    %jit3A_362 = arith.constant 1024 : i32
    %broadcast_in_dim3A_363 = vector.broadcast %jit3A_362 : i32 to vector<512x1024xi32>
    %select_n3A_364 = arith.select %eq3A_361, %iota3A, %broadcast_in_dim3A_363 : vector<512x1024xi1>, vector<512x1024xi32>
    %reduce_min3A_365 = arith.constant dense<2147483647> : vector<512xi32>
    %reduce_min3A_366 = vector.multi_reduction <minsi>, %select_n3A_364, %reduce_min3A_365 [1] : vector<512x1024xi32> to vector<512xi32>
    %broadcast_in_dim3A_367 = vector.shape_cast %reduce_min3A_366 : vector<512xi32> to vector<512x1xi32>
    %eq3A_368 = arith.constant 13 : i32
    %eq3A_369 = vector.broadcast %eq3A_368 : i32 to vector<512x16xi32>
    %eq3A_370 = arith.cmpi eq, %iota3A_20, %eq3A_369 : vector<512x16xi32>
    %mul3A_371 = arith.constant 1024 : i32
    %mul3A_372 = vector.broadcast %mul3A_371 : i32 to vector<512x1xi32>
    %mul3A_373 = arith.muli %broadcast_in_dim3A_29, %mul3A_372 : vector<512x1xi32>
    %add3A_374 = arith.addi %mul3A_373, %broadcast_in_dim3A_367 : vector<512x1xi32>
    %broadcast_in_dim3A_375 = vector.shape_cast %add3A_374 : vector<512x1xi32> to vector<512x1xi32>
    %broadcast_in_dim3A_376 = vector.broadcast %broadcast_in_dim3A_375 : vector<512x1xi32> to vector<512x16xi32>
    %select_n3A_377 = arith.select %eq3A_370, %broadcast_in_dim3A_376, %select_n3A_351 : vector<512x16xi1>, vector<512x16xi32>
    %eq3A_378 = vector.broadcast %broadcast_in_dim3A_367 : vector<512x1xi32> to vector<512x1024xi32>
    %eq3A_379 = arith.cmpi eq, %iota3A, %eq3A_378 : vector<512x1024xi32>
    %jit3A_380 = arith.constant 0x7F800000 : f32
    %broadcast_in_dim3A_381 = vector.broadcast %jit3A_380 : f32 to vector<512x1024xf32>
    %select_n3A_382 = arith.select %eq3A_379, %broadcast_in_dim3A_381, %select_n3A_356 : vector<512x1024xi1>, vector<512x1024xf32>
    %reduce_min3A_383 = arith.constant dense<0x7F800000> : vector<512xf32>
    %reduce_min3A_384 = vector.multi_reduction <minimumf>, %select_n3A_382, %reduce_min3A_383 [1] : vector<512x1024xf32> to vector<512xf32>
    %broadcast_in_dim3A_385 = vector.shape_cast %reduce_min3A_384 : vector<512xf32> to vector<512x1xf32>
    %eq3A_386 = vector.broadcast %broadcast_in_dim3A_385 : vector<512x1xf32> to vector<512x1024xf32>
    %eq3A_387 = arith.cmpf oeq, %select_n3A_382, %eq3A_386 : vector<512x1024xf32>
    %jit3A_388 = arith.constant 1024 : i32
    %broadcast_in_dim3A_389 = vector.broadcast %jit3A_388 : i32 to vector<512x1024xi32>
    %select_n3A_390 = arith.select %eq3A_387, %iota3A, %broadcast_in_dim3A_389 : vector<512x1024xi1>, vector<512x1024xi32>
    %reduce_min3A_391 = arith.constant dense<2147483647> : vector<512xi32>
    %reduce_min3A_392 = vector.multi_reduction <minsi>, %select_n3A_390, %reduce_min3A_391 [1] : vector<512x1024xi32> to vector<512xi32>
    %broadcast_in_dim3A_393 = vector.shape_cast %reduce_min3A_392 : vector<512xi32> to vector<512x1xi32>
    %eq3A_394 = arith.constant 14 : i32
    %eq3A_395 = vector.broadcast %eq3A_394 : i32 to vector<512x16xi32>
    %eq3A_396 = arith.cmpi eq, %iota3A_20, %eq3A_395 : vector<512x16xi32>
    %mul3A_397 = arith.constant 1024 : i32
    %mul3A_398 = vector.broadcast %mul3A_397 : i32 to vector<512x1xi32>
    %mul3A_399 = arith.muli %broadcast_in_dim3A_29, %mul3A_398 : vector<512x1xi32>
    %add3A_400 = arith.addi %mul3A_399, %broadcast_in_dim3A_393 : vector<512x1xi32>
    %broadcast_in_dim3A_401 = vector.shape_cast %add3A_400 : vector<512x1xi32> to vector<512x1xi32>
    %broadcast_in_dim3A_402 = vector.broadcast %broadcast_in_dim3A_401 : vector<512x1xi32> to vector<512x16xi32>
    %select_n3A_403 = arith.select %eq3A_396, %broadcast_in_dim3A_402, %select_n3A_377 : vector<512x16xi1>, vector<512x16xi32>
    %swap3A_404 = arith.constant 0 : index
    %swap3A_405 = arith.constant 0 : index
    %swap3A_406 = vector.load %arg3[%swap3A_404, %swap3A_405] : memref<512x16xi32, #tpu.memory_space<vmem>>, vector<512x16xi32>
    tpu.vector_store %arg3[%swap3A_404, %swap3A_405], %select_n3A_403 {strides = array<i32>} : memref<512x16xi32, #tpu.memory_space<vmem>>, vector<512x16xi32>,
    return
  }
  func.func @transform_0(%arg0: i32) -> (i32, i32) {
    %c0_i32 = arith.constant 0 : i32
    %c0_i32_0 = arith.constant 0 : i32
    return %arg0, %c0_i32 : i32, i32
  }
  func.func @transform_1(%arg0: i32) -> (i32, i32) {
    %c0_i32 = arith.constant 0 : i32
    %c0_i32_0 = arith.constant 0 : i32
    %c0_i32_1 = arith.constant 0 : i32
    return %c0_i32, %c0_i32_0 : i32, i32
  }
  func.func @transform_2(%arg0: i32) -> (i32, i32) {
    %c0_i32 = arith.constant 0 : i32
    %c0_i32_0 = arith.constant 0 : i32
    return %arg0, %c0_i32 : i32, i32
  }
  func.func @transform_3(%arg0: i32) -> (i32, i32) {
    %c0_i32 = arith.constant 0 : i32
    %c0_i32_0 = arith.constant 0 : i32
    return %arg0, %c0_i32 : i32, i32
  }
}

module attributes {stable_mosaic.version = 14 : i64} {
  func.func @_loss_body(%arg0: i32, %arg1: memref<512x1024xf32, #tpu.memory_space<vmem>>, %arg2: memref<512x1024xf32, #tpu.memory_space<vmem>>, %arg3: memref<512x1xi32, #tpu.memory_space<vmem>>, %arg4: memref<1x1xf32, #tpu.memory_space<vmem>>) attributes {dimension_semantics = [#tpu.dimension_semantics<arbitrary>], iteration_bounds = array<i64: 4>, scalar_prefetch = 0 : i64, scratch_operands = 0 : i64, tpu.core_type = #tpu.core_type<tc>, window_params = [{transform_indices = @transform_0, window_bounds = array<i64: 512, 1024>}, {transform_indices = @transform_1, window_bounds = array<i64: 512, 1024>}, {transform_indices = @transform_2, window_bounds = array<i64: 512, 1>}, {pipeline_mode = #tpu.pipeline_mode<synchronous>, transform_indices = @transform_3, window_bounds = array<i64: 1, 1>}]} {
    %get3A = arith.constant 0 : index
    %get3A_0 = arith.constant 0 : index
    %get3A_1 = vector.load %arg1[%get3A, %get3A_0] : memref<512x1024xf32, #tpu.memory_space<vmem>>, vector<512x1024xf32>
    %get3A_2 = arith.constant 0 : index
    %get3A_3 = arith.constant 0 : index
    %get3A_4 = vector.load %arg2[%get3A_2, %get3A_3] : memref<512x1024xf32, #tpu.memory_space<vmem>>, vector<512x1024xf32>
    %get3A_5 = arith.constant 0 : index
    %get3A_6 = arith.constant 0 : index
    %get3A_7 = vector.load %arg3[%get3A_5, %get3A_6] : memref<512x1xi32, #tpu.memory_space<vmem>>, vector<512x1xi32>
    %iota3A = tpu.iota {dimensions = array<i32: 1>} : vector<512x1024xi32>
    %eq3A = vector.broadcast %get3A_7 : vector<512x1xi32> to vector<512x1024xi32>
    %eq3A_8 = arith.cmpi eq, %iota3A, %eq3A : vector<512x1024xi32>
    %jit3A = arith.constant 0.000000e+00 : f32
    %broadcast_in_dim3A = vector.broadcast %jit3A : f32 to vector<512x1024xf32>
    %select_n3A = arith.select %eq3A_8, %get3A_1, %broadcast_in_dim3A : vector<512x1024xi1>, vector<512x1024xf32>
    %reduce_sum3A = arith.constant dense<0.000000e+00> : vector<512xf32>
    %reduce_sum3A_9 = vector.multi_reduction <add>, %select_n3A, %reduce_sum3A [1] : vector<512x1024xf32> to vector<512xf32>
    %reduce_sum3A_10 = arith.constant dense<0.000000e+00> : vector<512xf32>
    %reduce_sum3A_11 = vector.multi_reduction <add>, %get3A_4, %reduce_sum3A_10 [1] : vector<512x1024xf32> to vector<512xf32>
    %broadcast_in_dim3A_12 = vector.shape_cast %reduce_sum3A_11 : vector<512xf32> to vector<512x1xf32>
    %div3A = arith.constant 1.500000e+01 : f32
    %div3A_13 = vector.broadcast %div3A : f32 to vector<512x1xf32>
    %div3A_14 = arith.divf %broadcast_in_dim3A_12, %div3A_13 : vector<512x1xf32>
    %sub3A = vector.broadcast %div3A_14 : vector<512x1xf32> to vector<512x1024xf32>
    %sub3A_15 = arith.subf %sub3A, %get3A_4 : vector<512x1024xf32>
    %gt3A = arith.constant 0.000000e+00 : f32
    %gt3A_16 = vector.broadcast %gt3A : f32 to vector<512x1024xf32>
    %gt3A_17 = arith.cmpf ogt, %sub3A_15, %gt3A_16 : vector<512x1024xf32>
    %convert_element_type3A = arith.extui %gt3A_17 : vector<512x1024xi1> to vector<512x1024xi32>
    %convert_element_type3A_18 = arith.sitofp %convert_element_type3A : vector<512x1024xi32> to vector<512x1024xf32>
    %mul3A = arith.mulf %sub3A_15, %convert_element_type3A_18 : vector<512x1024xf32>
    %eq3A_19 = vector.broadcast %get3A_7 : vector<512x1xi32> to vector<512x1024xi32>
    %eq3A_20 = arith.cmpi eq, %iota3A, %eq3A_19 : vector<512x1024xi32>
    %convert_element_type3A_21 = arith.extui %eq3A_20 : vector<512x1024xi1> to vector<512x1024xi32>
    %convert_element_type3A_22 = arith.sitofp %convert_element_type3A_21 : vector<512x1024xi32> to vector<512x1024xf32>
    %gt3A_23 = arith.constant 0.000000e+00 : f32
    %gt3A_24 = vector.broadcast %gt3A_23 : f32 to vector<512x1024xf32>
    %gt3A_25 = arith.cmpf ogt, %get3A_4, %gt3A_24 : vector<512x1024xf32>
    %convert_element_type3A_26 = arith.extui %gt3A_25 : vector<512x1024xi1> to vector<512x1024xi32>
    %convert_element_type3A_27 = arith.sitofp %convert_element_type3A_26 : vector<512x1024xi32> to vector<512x1024xf32>
    %max3A = arith.maximumf %convert_element_type3A_22, %convert_element_type3A_27 : vector<512x1024xf32>
    %pow3A = arith.constant 0.899999976 : f32
    %pow3A_28 = vector.broadcast %pow3A : f32 to vector<512x1024xf32>
    %pow3A_29 = math.powf %pow3A_28, %mul3A : vector<512x1024xf32>
    %mul3A_30 = arith.mulf %max3A, %pow3A_29 : vector<512x1024xf32>
    %lt3A = arith.constant 0.34867844 : f32
    %lt3A_31 = vector.broadcast %lt3A : f32 to vector<512x1024xf32>
    %lt3A_32 = arith.cmpf olt, %mul3A_30, %lt3A_31 : vector<512x1024xf32>
    %convert_element_type3A_33 = arith.extui %lt3A_32 : vector<512x1024xi1> to vector<512x1024xi32>
    %convert_element_type3A_34 = arith.sitofp %convert_element_type3A_33 : vector<512x1024xi32> to vector<512x1024xf32>
    %sub3A_35 = arith.constant 1.000000e+00 : f32
    %sub3A_36 = vector.broadcast %sub3A_35 : f32 to vector<512x1024xf32>
    %sub3A_37 = arith.subf %sub3A_36, %convert_element_type3A_34 : vector<512x1024xf32>
    %mul3A_38 = arith.mulf %mul3A_30, %sub3A_37 : vector<512x1024xf32>
    %gt3A_39 = arith.constant 0.000000e+00 : f32
    %gt3A_40 = vector.broadcast %gt3A_39 : f32 to vector<512x1024xf32>
    %gt3A_41 = arith.cmpf ogt, %mul3A_38, %gt3A_40 : vector<512x1024xf32>
    %ne3A = vector.broadcast %get3A_7 : vector<512x1xi32> to vector<512x1024xi32>
    %ne3A_42 = arith.cmpi ne, %iota3A, %ne3A : vector<512x1024xi32>
    %and3A = arith.andi %gt3A_41, %ne3A_42 : vector<512x1024xi1>
    %convert_element_type3A_43 = arith.extui %and3A : vector<512x1024xi1> to vector<512x1024xi32>
    %convert_element_type3A_44 = arith.sitofp %convert_element_type3A_43 : vector<512x1024xi32> to vector<512x1024xf32>
    %mul3A_45 = arith.mulf %get3A_1, %convert_element_type3A_44 : vector<512x1024xf32>
    %mul3A_46 = arith.constant -1.000000e-03 : f32
    %mul3A_47 = vector.broadcast %mul3A_46 : f32 to vector<512x1024xf32>
    %mul3A_48 = arith.mulf %mul3A_47, %mul3A_45 : vector<512x1024xf32>
    %exp3A = math.exp %mul3A_48 : vector<512x1024xf32>
    %gt3A_49 = arith.constant 0.000000e+00 : f32
    %gt3A_50 = vector.broadcast %gt3A_49 : f32 to vector<512x1024xf32>
    %gt3A_51 = arith.cmpf ogt, %mul3A_45, %gt3A_50 : vector<512x1024xf32>
    %convert_element_type3A_52 = arith.extui %gt3A_51 : vector<512x1024xi1> to vector<512x1024xi32>
    %convert_element_type3A_53 = arith.sitofp %convert_element_type3A_52 : vector<512x1024xi32> to vector<512x1024xf32>
    %mul3A_54 = arith.mulf %exp3A, %convert_element_type3A_53 : vector<512x1024xf32>
    %reduce_sum3A_55 = arith.constant dense<0.000000e+00> : vector<512xf32>
    %reduce_sum3A_56 = vector.multi_reduction <add>, %mul3A_54, %reduce_sum3A_55 [1] : vector<512x1024xf32> to vector<512xf32>
    %mul3A_57 = arith.mulf %mul3A_54, %mul3A_45 : vector<512x1024xf32>
    %reduce_sum3A_58 = arith.constant dense<0.000000e+00> : vector<512xf32>
    %reduce_sum3A_59 = vector.multi_reduction <add>, %mul3A_57, %reduce_sum3A_58 [1] : vector<512x1024xf32> to vector<512xf32>
    %gt3A_60 = arith.constant 0.000000e+00 : f32
    %gt3A_61 = vector.broadcast %gt3A_60 : f32 to vector<512xf32>
    %gt3A_62 = arith.cmpf ogt, %reduce_sum3A_56, %gt3A_61 : vector<512xf32>
    %div3A_63 = arith.divf %reduce_sum3A_59, %reduce_sum3A_56 : vector<512xf32>
    %jit3A_64 = arith.constant 0.000000e+00 : f32
    %broadcast_in_dim3A_65 = vector.broadcast %jit3A_64 : f32 to vector<512xf32>
    %select_n3A_66 = arith.select %gt3A_62, %div3A_63, %broadcast_in_dim3A_65 : vector<512xi1>, vector<512xf32>
    %sub3A_67 = arith.subf %reduce_sum3A_9, %select_n3A_66 : vector<512xf32>
    %max3A_68 = arith.constant 0.000000e+00 : f32
    %max3A_69 = vector.broadcast %max3A_68 : f32 to vector<512xf32>
    %max3A_70 = arith.maximumf %sub3A_67, %max3A_69 : vector<512xf32>
    %reduce_sum3A_71 = vector.shape_cast %max3A_70 : vector<512xf32> to vector<1x512xf32>
    %reduce_sum3A_72 = arith.constant dense<0.000000e+00> : vector<1xf32>
    %reduce_sum3A_73 = vector.multi_reduction <add>, %reduce_sum3A_71, %reduce_sum3A_72 [1] : vector<1x512xf32> to vector<1xf32>
    %reduce_sum3A_74 = vector.shape_cast %reduce_sum3A_73 : vector<1xf32> to vector<1x1xf32>
    %reduce_sum3A_75 = vector.extract %reduce_sum3A_74[0, 0] : f32 from vector<1x1xf32>
    %eq3A_76 = arith.constant 0 : i32
    %eq3A_77 = arith.cmpi eq, %arg0, %eq3A_76 : i32
    %get3A_78 = arith.constant 0 : index
    %get3A_79 = arith.constant 0 : index
    %get3A_80 = vector.load %arg4[%get3A_78, %get3A_79] : memref<1x1xf32, #tpu.memory_space<vmem>>, vector<1x1xf32>
    %get3A_81 = vector.extract %get3A_80[0, 0] : f32 from vector<1x1xf32>
    %jit3A_82 = arith.constant 0.000000e+00 : f32
    %select_n3A_83 = arith.select %eq3A_77, %jit3A_82, %get3A_81 : f32
    %add3A = arith.addf %select_n3A_83, %reduce_sum3A_75 : f32
    %reshape3A = vector.broadcast %add3A : f32 to vector<1x1xf32>
    %swap3A = arith.constant 0 : index
    %swap3A_84 = arith.constant 0 : index
    %swap3A_85 = vector.load %arg4[%swap3A, %swap3A_84] : memref<1x1xf32, #tpu.memory_space<vmem>>, vector<1x1xf32>
    tpu.vector_store %arg4[%swap3A, %swap3A_84], %reshape3A {strides = array<i32>} : memref<1x1xf32, #tpu.memory_space<vmem>>, vector<1x1xf32>,
    return
  }
  func.func @transform_0(%arg0: i32) -> (i32, i32) {
    %add3A = arith.constant 0 : i32
    %add3A_0 = arith.addi %arg0, %add3A : i32
    %c0_i32 = arith.constant 0 : i32
    %c0_i32_1 = arith.constant 0 : i32
    return %add3A_0, %c0_i32 : i32, i32
  }
  func.func @transform_1(%arg0: i32) -> (i32, i32) {
    %c0_i32 = arith.constant 0 : i32
    %c0_i32_0 = arith.constant 0 : i32
    return %arg0, %c0_i32 : i32, i32
  }
  func.func @transform_2(%arg0: i32) -> (i32, i32) {
    %add3A = arith.constant 0 : i32
    %add3A_0 = arith.addi %arg0, %add3A : i32
    %c0_i32 = arith.constant 0 : i32
    %c0_i32_1 = arith.constant 0 : i32
    return %add3A_0, %c0_i32 : i32, i32
  }
  func.func @transform_3(%arg0: i32) -> (i32, i32) {
    %c0_i32 = arith.constant 0 : i32
    %c0_i32_0 = arith.constant 0 : i32
    %c0_i32_1 = arith.constant 0 : i32
    return %c0_i32, %c0_i32_0 : i32, i32
  }
}

module attributes {stable_mosaic.version = 14 : i64} {
  func.func @_loss_body(%arg0: i32, %arg1: memref<512x1024xf32, #tpu.memory_space<vmem>>, %arg2: memref<512x1024xf32, #tpu.memory_space<vmem>>, %arg3: memref<512x1xi32, #tpu.memory_space<vmem>>, %arg4: memref<1x1xf32, #tpu.memory_space<vmem>>) attributes {dimension_semantics = [#tpu.dimension_semantics<arbitrary>], iteration_bounds = array<i64: 4>, scalar_prefetch = 0 : i64, scratch_operands = 0 : i64, tpu.core_type = #tpu.core_type<tc>, window_params = [{transform_indices = @transform_0, window_bounds = array<i64: 512, 1024>}, {transform_indices = @transform_1, window_bounds = array<i64: 512, 1024>}, {transform_indices = @transform_2, window_bounds = array<i64: 512, 1>}, {pipeline_mode = #tpu.pipeline_mode<synchronous>, transform_indices = @transform_3, window_bounds = array<i64: 1, 1>}]} {
    %get3A = arith.constant 0 : index
    %get3A_0 = arith.constant 0 : index
    %get3A_1 = vector.load %arg1[%get3A, %get3A_0] : memref<512x1024xf32, #tpu.memory_space<vmem>>, vector<512x1024xf32>
    %get3A_2 = arith.constant 0 : index
    %get3A_3 = arith.constant 0 : index
    %get3A_4 = vector.load %arg2[%get3A_2, %get3A_3] : memref<512x1024xf32, #tpu.memory_space<vmem>>, vector<512x1024xf32>
    %get3A_5 = arith.constant 0 : index
    %get3A_6 = arith.constant 0 : index
    %get3A_7 = vector.load %arg3[%get3A_5, %get3A_6] : memref<512x1xi32, #tpu.memory_space<vmem>>, vector<512x1xi32>
    %iota3A = tpu.iota {dimensions = array<i32: 1>} : vector<512x1024xi32>
    %eq3A = vector.broadcast %get3A_7 : vector<512x1xi32> to vector<512x1024xi32>
    %eq3A_8 = arith.cmpi eq, %iota3A, %eq3A : vector<512x1024xi32>
    %jit3A = arith.constant 0.000000e+00 : f32
    %broadcast_in_dim3A = vector.broadcast %jit3A : f32 to vector<512x1024xf32>
    %select_n3A = arith.select %eq3A_8, %get3A_1, %broadcast_in_dim3A : vector<512x1024xi1>, vector<512x1024xf32>
    %reduce_sum3A = arith.constant dense<0.000000e+00> : vector<512xf32>
    %reduce_sum3A_9 = vector.multi_reduction <add>, %select_n3A, %reduce_sum3A [1] : vector<512x1024xf32> to vector<512xf32>
    %reduce_sum3A_10 = arith.constant dense<0.000000e+00> : vector<512xf32>
    %reduce_sum3A_11 = vector.multi_reduction <add>, %get3A_4, %reduce_sum3A_10 [1] : vector<512x1024xf32> to vector<512xf32>
    %broadcast_in_dim3A_12 = vector.shape_cast %reduce_sum3A_11 : vector<512xf32> to vector<512x1xf32>
    %div3A = arith.constant 1.500000e+01 : f32
    %div3A_13 = vector.broadcast %div3A : f32 to vector<512x1xf32>
    %div3A_14 = arith.divf %broadcast_in_dim3A_12, %div3A_13 : vector<512x1xf32>
    %sub3A = vector.broadcast %div3A_14 : vector<512x1xf32> to vector<512x1024xf32>
    %sub3A_15 = arith.subf %sub3A, %get3A_4 : vector<512x1024xf32>
    %gt3A = arith.constant 0.000000e+00 : f32
    %gt3A_16 = vector.broadcast %gt3A : f32 to vector<512x1024xf32>
    %gt3A_17 = arith.cmpf ogt, %sub3A_15, %gt3A_16 : vector<512x1024xf32>
    %convert_element_type3A = arith.extui %gt3A_17 : vector<512x1024xi1> to vector<512x1024xi32>
    %convert_element_type3A_18 = arith.sitofp %convert_element_type3A : vector<512x1024xi32> to vector<512x1024xf32>
    %mul3A = arith.mulf %sub3A_15, %convert_element_type3A_18 : vector<512x1024xf32>
    %eq3A_19 = vector.broadcast %get3A_7 : vector<512x1xi32> to vector<512x1024xi32>
    %eq3A_20 = arith.cmpi eq, %iota3A, %eq3A_19 : vector<512x1024xi32>
    %convert_element_type3A_21 = arith.extui %eq3A_20 : vector<512x1024xi1> to vector<512x1024xi32>
    %convert_element_type3A_22 = arith.sitofp %convert_element_type3A_21 : vector<512x1024xi32> to vector<512x1024xf32>
    %gt3A_23 = arith.constant 0.000000e+00 : f32
    %gt3A_24 = vector.broadcast %gt3A_23 : f32 to vector<512x1024xf32>
    %gt3A_25 = arith.cmpf ogt, %get3A_4, %gt3A_24 : vector<512x1024xf32>
    %convert_element_type3A_26 = arith.extui %gt3A_25 : vector<512x1024xi1> to vector<512x1024xi32>
    %convert_element_type3A_27 = arith.sitofp %convert_element_type3A_26 : vector<512x1024xi32> to vector<512x1024xf32>
    %max3A = arith.maximumf %convert_element_type3A_22, %convert_element_type3A_27 : vector<512x1024xf32>
    %pow3A = arith.constant 0.899999976 : f32
    %pow3A_28 = vector.broadcast %pow3A : f32 to vector<512x1024xf32>
    %pow3A_29 = math.powf %pow3A_28, %mul3A : vector<512x1024xf32>
    %mul3A_30 = arith.mulf %max3A, %pow3A_29 : vector<512x1024xf32>
    %lt3A = arith.constant 0.34867844 : f32
    %lt3A_31 = vector.broadcast %lt3A : f32 to vector<512x1024xf32>
    %lt3A_32 = arith.cmpf olt, %mul3A_30, %lt3A_31 : vector<512x1024xf32>
    %convert_element_type3A_33 = arith.extui %lt3A_32 : vector<512x1024xi1> to vector<512x1024xi32>
    %convert_element_type3A_34 = arith.sitofp %convert_element_type3A_33 : vector<512x1024xi32> to vector<512x1024xf32>
    %sub3A_35 = arith.constant 1.000000e+00 : f32
    %sub3A_36 = vector.broadcast %sub3A_35 : f32 to vector<512x1024xf32>
    %sub3A_37 = arith.subf %sub3A_36, %convert_element_type3A_34 : vector<512x1024xf32>
    %mul3A_38 = arith.mulf %mul3A_30, %sub3A_37 : vector<512x1024xf32>
    %gt3A_39 = arith.constant 0.000000e+00 : f32
    %gt3A_40 = vector.broadcast %gt3A_39 : f32 to vector<512x1024xf32>
    %gt3A_41 = arith.cmpf ogt, %mul3A_38, %gt3A_40 : vector<512x1024xf32>
    %ne3A = vector.broadcast %get3A_7 : vector<512x1xi32> to vector<512x1024xi32>
    %ne3A_42 = arith.cmpi ne, %iota3A, %ne3A : vector<512x1024xi32>
    %and3A = arith.andi %gt3A_41, %ne3A_42 : vector<512x1024xi1>
    %convert_element_type3A_43 = arith.extui %and3A : vector<512x1024xi1> to vector<512x1024xi32>
    %convert_element_type3A_44 = arith.sitofp %convert_element_type3A_43 : vector<512x1024xi32> to vector<512x1024xf32>
    %mul3A_45 = arith.mulf %get3A_1, %convert_element_type3A_44 : vector<512x1024xf32>
    %mul3A_46 = arith.constant -1.000000e-03 : f32
    %mul3A_47 = vector.broadcast %mul3A_46 : f32 to vector<512x1024xf32>
    %mul3A_48 = arith.mulf %mul3A_47, %mul3A_45 : vector<512x1024xf32>
    %exp3A = math.exp %mul3A_48 : vector<512x1024xf32>
    %gt3A_49 = arith.constant 0.000000e+00 : f32
    %gt3A_50 = vector.broadcast %gt3A_49 : f32 to vector<512x1024xf32>
    %gt3A_51 = arith.cmpf ogt, %mul3A_45, %gt3A_50 : vector<512x1024xf32>
    %convert_element_type3A_52 = arith.extui %gt3A_51 : vector<512x1024xi1> to vector<512x1024xi32>
    %convert_element_type3A_53 = arith.sitofp %convert_element_type3A_52 : vector<512x1024xi32> to vector<512x1024xf32>
    %mul3A_54 = arith.mulf %exp3A, %convert_element_type3A_53 : vector<512x1024xf32>
    %reduce_sum3A_55 = arith.constant dense<0.000000e+00> : vector<512xf32>
    %reduce_sum3A_56 = vector.multi_reduction <add>, %mul3A_54, %reduce_sum3A_55 [1] : vector<512x1024xf32> to vector<512xf32>
    %mul3A_57 = arith.mulf %mul3A_54, %mul3A_45 : vector<512x1024xf32>
    %reduce_sum3A_58 = arith.constant dense<0.000000e+00> : vector<512xf32>
    %reduce_sum3A_59 = vector.multi_reduction <add>, %mul3A_57, %reduce_sum3A_58 [1] : vector<512x1024xf32> to vector<512xf32>
    %gt3A_60 = arith.constant 0.000000e+00 : f32
    %gt3A_61 = vector.broadcast %gt3A_60 : f32 to vector<512xf32>
    %gt3A_62 = arith.cmpf ogt, %reduce_sum3A_56, %gt3A_61 : vector<512xf32>
    %div3A_63 = arith.divf %reduce_sum3A_59, %reduce_sum3A_56 : vector<512xf32>
    %jit3A_64 = arith.constant 0.000000e+00 : f32
    %broadcast_in_dim3A_65 = vector.broadcast %jit3A_64 : f32 to vector<512xf32>
    %select_n3A_66 = arith.select %gt3A_62, %div3A_63, %broadcast_in_dim3A_65 : vector<512xi1>, vector<512xf32>
    %sub3A_67 = arith.subf %reduce_sum3A_9, %select_n3A_66 : vector<512xf32>
    %max3A_68 = arith.constant 0.000000e+00 : f32
    %max3A_69 = vector.broadcast %max3A_68 : f32 to vector<512xf32>
    %max3A_70 = arith.maximumf %sub3A_67, %max3A_69 : vector<512xf32>
    %reduce_sum3A_71 = vector.shape_cast %max3A_70 : vector<512xf32> to vector<1x512xf32>
    %reduce_sum3A_72 = arith.constant dense<0.000000e+00> : vector<1xf32>
    %reduce_sum3A_73 = vector.multi_reduction <add>, %reduce_sum3A_71, %reduce_sum3A_72 [1] : vector<1x512xf32> to vector<1xf32>
    %reduce_sum3A_74 = vector.shape_cast %reduce_sum3A_73 : vector<1xf32> to vector<1x1xf32>
    %reduce_sum3A_75 = vector.extract %reduce_sum3A_74[0, 0] : f32 from vector<1x1xf32>
    %eq3A_76 = arith.constant 0 : i32
    %eq3A_77 = arith.cmpi eq, %arg0, %eq3A_76 : i32
    %get3A_78 = arith.constant 0 : index
    %get3A_79 = arith.constant 0 : index
    %get3A_80 = vector.load %arg4[%get3A_78, %get3A_79] : memref<1x1xf32, #tpu.memory_space<vmem>>, vector<1x1xf32>
    %get3A_81 = vector.extract %get3A_80[0, 0] : f32 from vector<1x1xf32>
    %jit3A_82 = arith.constant 0.000000e+00 : f32
    %select_n3A_83 = arith.select %eq3A_77, %jit3A_82, %get3A_81 : f32
    %add3A = arith.addf %select_n3A_83, %reduce_sum3A_75 : f32
    %reshape3A = vector.broadcast %add3A : f32 to vector<1x1xf32>
    %swap3A = arith.constant 0 : index
    %swap3A_84 = arith.constant 0 : index
    %swap3A_85 = vector.load %arg4[%swap3A, %swap3A_84] : memref<1x1xf32, #tpu.memory_space<vmem>>, vector<1x1xf32>
    tpu.vector_store %arg4[%swap3A, %swap3A_84], %reshape3A {strides = array<i32>} : memref<1x1xf32, #tpu.memory_space<vmem>>, vector<1x1xf32>,
    return
  }
  func.func @transform_0(%arg0: i32) -> (i32, i32) {
    %add3A = arith.constant 4 : i32
    %add3A_0 = arith.addi %arg0, %add3A : i32
    %c0_i32 = arith.constant 0 : i32
    %c0_i32_1 = arith.constant 0 : i32
    return %add3A_0, %c0_i32 : i32, i32
  }
  func.func @transform_1(%arg0: i32) -> (i32, i32) {
    %c0_i32 = arith.constant 0 : i32
    %c0_i32_0 = arith.constant 0 : i32
    return %arg0, %c0_i32 : i32, i32
  }
  func.func @transform_2(%arg0: i32) -> (i32, i32) {
    %add3A = arith.constant 4 : i32
    %add3A_0 = arith.addi %arg0, %add3A : i32
    %c0_i32 = arith.constant 0 : i32
    %c0_i32_1 = arith.constant 0 : i32
    return %add3A_0, %c0_i32 : i32, i32
  }
  func.func @transform_3(%arg0: i32) -> (i32, i32) {
    %c0_i32 = arith.constant 0 : i32
    %c0_i32_0 = arith.constant 0 : i32
    %c0_i32_1 = arith.constant 0 : i32
    return %c0_i32, %c0_i32_0 : i32, i32
  }
}

</mosaic_0001>

<sc_bundles>
// kernel: kernel.11.cloned.1.call-start
scs
__scs_entry_jumppad:
0x0: {  	(pc) =	sbr.rel $0x88, $3  }
0x1: {  	(tag) =	ssettag $0x0;
	lr =	simm.s32 $0x1  }
0x2: {  	[smem:$0x3F9E] =	sst lr;
	_ =	strace $0xD0000000  }
0x3: {  	_ = 	snop  }
0x4: {  	_ = 	snop  }
0x5: {  	_ = 	snop  }
0x6: {  	_ = 	snop  }
0x7: {  	_ = 	snop  }
__scs_overlays_trampoline_lowered:
0x8: {  	[smem:$0x3FAD] =	sst s0  }
0x9: {  	[smem:$0x3FAE] =	sst s1  }
0xa: {  	[smem:$0x3FAF] =	sst s2  }
0xb: {  	[smem:$0x3FB0] =	sst s3  }
0xc: {  	[smem:$0x3FB1] =	sst s4  }
0xd: {  	[smem:$0x3FB2] =	sst s5  }
0xe: {  	[smem:$0x3FB3] =	sst s6  }
0xf: {  	[smem:$0x3FB4] =	sst s7  }
0x10: {  	[smem:$0x3FB5] =	sst s8  }
0x11: {  	[smem:$0x3FB6] =	sst s9;
	s0 =	simm.s32 @!p0 $0x0  }
0x12: {  	s1 =	sld [smem:$0x3F9C];
	s0 =	simm.s32 @p0 $0x1  }
0x13: {  	[smem:$0x3FB7] =	sst s0;
	s0 =	simm.s32 @!p1 $0x0  }
0x14: {  	s2 =	sld [smem:$0x3F9B];
	s0 =	simm.s32 @p1 $0x1  }
0x15: {  	[smem:$0x3FB8] =	sst s0;
	s0 =	simm.s32 @!p2 $0x0  }
0x16: {  	s3 =	sld [smem:$0x3FDB];
	s0 =	simm.s32 @p2 $0x1  }
0x17: {  	s4 =	simm.s32 $0x1BF5;
	[smem:$0x3FBA] =	sst s0  }
0x18: {  	s0 =	sld [smem:$0x3F9D];
	_ =	swait.ge [sflag:s4], $0x0  }
0x19: {  	s7 =	sld [smem:$0x3F9E]  }
0x1a: {  	s8 =	sadd.s32 $0xFFFFE003, lr  }
0x1b: {  	s9 =	sadd.s32 $0xFFFFFEF7, lr;
	s5 =	simm.s32 $0xFFFFFFFF;
	p2 =	slt.u32 s8, $0xFFFFF086  }
0x1c: {  	p1 =	slt.u32 s9, $0xF7A;
	s5 =	simm.s32 @!p2 $0x0  }
0x1d: {  	s5 =	simm.s32 @p1 $0x1;
	p0 =	seq.s32 s7, s2  }
0x1e: {  	s7 =	smul.u32 @!p0 $0xF7A, s2;
	p2 =	seq.s32 @!p0 s5, $0x0  }
0x1f: {  	s9 =	smul.u32 $0xF7A, s1;
	s8 =	simm.s32 @!p0 $0x1BF5;
	p2 =	por !p2, p0  }
0x20: {  	[sflag:s8] =	ssyncset.s32 @!p0 $0xFFFFF086;
	s6 =	sadd.s32 @!p0 s3, s7;
	s7 =	simm.s32 @!p0 $0x108  }
0x21: {  	s3 =	sadd.s32 s3, s9;
	s6 =	sadd.s32 @!p0 $0x88, s6;
	s7 =	simm.s32 @p2 $0x1082  }
0x22: {  	[simem:s7], [sflag:s8] =	dma.local @!p0 [hbm:s6], $0xF7A  }
0x23: {  	s9 =	sor.u32 $0xD0000000, s2;
	s6 =	simm.s32 $0x108;
	_ =	swait.ge @!p0 [sflag:s8], $0x0  }
0x24: {  	s3 =	sadd.s32 $0x88, s3;
	s6 =	simm.s32 @!p1 $0x1082;
	[sflag:s4] =	ssyncset.s32 $0xFFFFF086  }
0x25: {  	[simem:s6], [sflag:s4] =	dma.local [hbm:s3], $0xF7A  }
0x26: {  	[smem:$0x3F9E] =	sst s1;
	(tag) =	ssettag s2;
	_ =	strace s9  }
0x27: {  	s1 =	sld [smem:$0x3FAE]  }
0x28: {  	s2 =	sld [smem:$0x3FAF]  }
0x29: {  	s4 =	sld [smem:$0x3FB1]  }
0x2a: {  	p0 =	seq.s32 s5, $0x0;
	s5 =	sld [smem:$0x3FB2]  }
0x2b: {  	s6 =	sld [smem:$0x3FB3]  }
0x2c: {  	s7 =	sld [smem:$0x3FB4]  }
0x2d: {  	s3 =	simm.s32 $0x108;
	s8 =	sld [smem:$0x3FB5]  }
0x2e: {  	s3 =	simm.s32 @!p0 $0x1082;
	s9 =	sld [smem:$0x3FB6]  }
0x2f: {  	lr =	sadd.s32 s0, s3;
	s0 =	sld [smem:$0x3FAD]  }
0x30: {  	s3 =	sld [smem:$0x3FB0]  }
0x31: {  	[smem:$0x3FB9] =	sst s10  }
0x32: {  	s10 =	sld [smem:$0x3FB7];
	_ =	sdelay $0x3  }
0x33: {  	p0 =	seq.s32 s10, $0x1;
	s10 =	sld [smem:$0x3FB9];
	_ =	sdelay $0x3  }
0x34: {  	[smem:$0x3FB9] =	sst s10  }
0x35: {  	s10 =	sld [smem:$0x3FB8];
	_ =	sdelay $0x3  }
0x36: {  	p1 =	seq.s32 s10, $0x1;
	s10 =	sld [smem:$0x3FB9];
	_ =	sdelay $0x3  }
0x37: {  	[smem:$0x3FB9] =	sst s10  }
0x38: {  	s10 =	sld [smem:$0x3FBA]  }
0x39: {  	_ = 	snop;
	(pc) =	sbr.ind lr, $3  }
0x3a: {  	_ = 	snop  }
0x3b: {  	_ = 	snop  }
0x3c: {  	p2 =	seq.s32 s10, $0x1;
	s10 =	sld [smem:$0x3FB9]  }
0x3d: {  	_ =	shalt  }
0x3e: {  	_ =	shalt  }
0x3f: {  	_ =	shalt  }
0x40: {  	_ =	shalt  }
0x41: {  	_ =	shalt  }
0x42: {  	_ =	shalt  }
0x43: {  	_ =	shalt  }
0x44: {  	_ =	shalt  }
0x45: {  	_ =	shalt  }
0x46: {  	_ =	shalt  }
0x47: {  	_ =	shalt  }
0x48: {  	_ =	shalt  }
0x49: {  	_ =	shalt  }
0x4a: {  	_ =	shalt  }
0x4b: {  	_ =	shalt  }
0x4c: {  	_ =	shalt  }
0x4d: {  	_ =	shalt  }
0x4e: {  	_ =	shalt  }
0x4f: {  	_ =	shalt  }
0x50: {  	_ =	shalt  }
0x51: {  	_ =	shalt  }
0x52: {  	_ =	shalt  }
0x53: {  	_ =	shalt  }
0x54: {  	_ =	shalt  }
0x55: {  	_ =	shalt  }
0x56: {  	_ =	shalt  }
0x57: {  	_ =	shalt  }
0x58: {  	_ =	shalt  }
0x59: {  	_ =	shalt  }
0x5a: {  	_ =	shalt  }
0x5b: {  	_ =	shalt  }
0x5c: {  	_ =	shalt  }
0x5d: {  	_ =	shalt  }
0x5e: {  	_ =	shalt  }
0x5f: {  	_ =	shalt  }
0x60: {  	_ =	shalt  }
0x61: {  	_ =	shalt  }
0x62: {  	_ =	shalt  }
0x63: {  	_ =	shalt  }
0x64: {  	_ =	shalt  }
0x65: {  	_ =	shalt  }
0x66: {  	_ =	shalt  }
0x67: {  	_ =	shalt  }
0x68: {  	_ =	shalt  }
0x69: {  	_ =	shalt  }
0x6a: {  	_ =	shalt  }
0x6b: {  	_ =	shalt  }
0x6c: {  	_ =	shalt  }
0x6d: {  	_ =	shalt  }
0x6e: {  	_ =	shalt  }
0x6f: {  	_ =	shalt  }
0x70: {  	_ =	shalt  }
0x71: {  	_ =	shalt  }
0x72: {  	_ =	shalt  }
0x73: {  	_ =	shalt  }
0x74: {  	_ =	shalt  }
0x75: {  	_ =	shalt  }
0x76: {  	_ =	shalt  }
0x77: {  	_ =	shalt  }
0x78: {  	_ =	shalt  }
0x79: {  	_ =	shalt  }
0x7a: {  	_ =	shalt  }
0x7b: {  	_ =	shalt  }
0x7c: {  	_ =	shalt  }
0x7d: {  	_ =	shalt  }
0x7e: {  	_ =	shalt  }
0x7f: {  	_ =	shalt  }
0x80: {  	_ =	shalt  }
0x81: {  	_ =	shalt  }
0x82: {  	_ =	shalt  }
0x83: {  	_ =	shalt  }
0x84: {  	_ =	shalt  }
0x85: {  	_ =	shalt  }
0x86: {  	_ =	shalt  }
0x87: {  	_ =	shalt  }
.Lfunc_end0:
.L_simem_size_0:
called_computation.1_lowered:
.L_overlay_start_0:
0x88: {  	s2 =	sld [smem:$0x3FD9]  }
0x89: {  	s3 =	sld [smem:$0x3FFE];
	_ =	sdelay $0x1  }
0x8a: {  	s1 =	srdreg.scid  }
0x8b: {  	s0 =	sand.u32 $0x1, s1  }
0x8c: {  	s17 =	sshll.u32 s0, $0xA;
	s2 =	sadd.s32 s3, s2  }
0x8d: {  	s2 =	sadd.s32 s2, s17  }
0x8e: {  	[smem:$0x3FC5] =	sst s2  }
0x8f: {  	_ = 	snop  }
0x90: {  	(tm) =	ssettm $0x1  }
0x91: {  	s18 =	sld [smem:$0x3FFB];
	_ =	sdelay $0x3  }
0x92: {  	_ =	strace s18  }
0x93: {  	s2 =	sld [smem:$0x3FFC];
	_ =	sdelay $0x3  }
0x94: {  	_ =	strace s2  }
0x95: {  	s2 =	sld [smem:$0x3FFD];
	_ =	sdelay $0x3  }
0x96: {  	_ =	strace s2  }
0x97: {  	_ =	strace $0x8FFFFFFF  }
0x98: {  	s19 =	sld [smem:$0x3FDB];
	_ =	sdelay $0x1  }
0x99: {  	s20 =	simm.s32 $_scs_section_size  }
0x9a: {  	s4 =	simm.s32 $_size__tile_overlayer_lowered;
	s5 =	simm.s32 $_tile_overlayer_lowered  }
0x9b: {  	s6 =	simm.s32 $0x1BFF;
	s21 =	sshll.u32 s5, $0x1;
	s3 =	sadd.s32 s20, s19  }
0x9c: {  	s22 =	simm.s32 $0x0;
	s4 =	sshll.u32 s4, $0x1;
	s5 =	sadd.s32 s21, s3  }
0x9d: {  	[timem:s22], [sflag:s6] =	dma.local [hbm:s5], s4  }
0x9e: {  	_ =	swait.ge [sflag:s6], s4  }
0x9f: {  	s4 =	ssub.s32 $0x0, s4;
	[sflag:s6] =	ssyncset.done $0x0  }
0xa0: {  	[sflag:s6] =	ssyncadd.s32 s4;
	_ =	sdelay $0x1  }
0xa1: {  	s23 =	simm.s32 $0x1B8B  }
0xa2: {  	_ =	swait.ge [sflag:s23], $0x1  }
0xa3: {  	[sflag:s23] =	ssyncset.done $0x0  }
0xa4: {  	[sflag:s23] =	ssyncadd.s32 $0xFFFFFFFF  }
0xa5: {  	s4 =	sld [smem:$0x0]  }
0xa6: {  	s5 =	sand.u32 $0xFFFFFFFE, s1  }
0xa7: {  	p0 =	sne.s32 s1, s5  }
0xa8: {  	s5 =	sshll.u32 @p0 s5, $0xE  }
0xa9: {  	s5 =	sadd.s32 @p0 $0x11B8D, s5;
	s6 =	sshll.u32 @p0 s4, $0x11  }
0xaa: {  	s5 =	sor.u32 @p0 s6, s5  }
0xab: {  	[sflag:s5] =	ssyncadd.remote.s32 @p0 $0x1;
	_ =	sdelay $0x1  }
0xac: {  	s5 =	simm.s32 @p0 $0x1B8D  }
0xad: {  	_ =	swait.eq @p0 [sflag:s5], $0x1  }
0xae: {  	[sflag:s5] =	ssyncadd.s32 @p0 $0xFFFFFFFF  }
0xaf: {  	s6 =	sshll.u32 @!p0 s1, $0xE  }
0xb0: {  	s6 =	sor.u32 @!p0 $0x4000, s6;
	s5 =	simm.s32 @!p0 $0x1B8D  }
0xb1: {  	s4 =	sshll.u32 @!p0 s4, $0x11;
	s6 =	sadd.s32 @!p0 $0x11B8D, s6;
	_ =	swait.eq @!p0 [sflag:s5], $0x1  }
0xb2: {  	s4 =	sor.u32 @!p0 s4, s6;
	[sflag:s5] =	ssyncadd.s32 @!p0 $0xFFFFFFFF  }
0xb3: {  	s25 =	simm.s32 $0x1B8E;
	s24 =	sld [smem:$0x3FFE];
	[sflag:s4] =	ssyncadd.remote.s32 @!p0 $0x1  }
0xb4: {  	s26 =	simm.s32 $execute0_lowered;
	[smem:$0x3FD2] =	sst s25  }
0xb5: {  	s5 =	sshll.u32 s26, $0x1;
	_ =	strace $0x8000004C;
	[dreg:$0x1] =	wrdreg $0xFFFFFFFF  }
0xb6: {  	s28 =	simm.s32 $_size_execute0_lowered;
	s3 =	sadd.s32 s3, s5;
	[dreg:$0x0] =	wrdreg $0x0  }
0xb7: {  	s5 =	sshll.u32 s28, $0x1;
	[dreg:$0x2] =	wrdreg s3  }
0xb8: {  	[dreg:$0x3] =	wrdreg s5  }
0xb9: {  	[dreg:$0x4] =	wrdreg $0xC0  }
0xba: {  	_ =	task [dreg:s22], $0x5FFFF  }
0xbb: {  	[dreg:$0x1] =	wrdreg $0xFFFFFFFF  }
0xbc: {  	[dreg:$0x0] =	wrdreg $0x60  }
0xbd: {  	[dreg:$0x2] =	wrdreg s24  }
0xbe: {  	[dreg:$0x3] =	wrdreg $0x9  }
0xbf: {  	_ =	task.clear_ibuf [dreg:s22], $0x4FFFF;
	_ =	strace $0x9000004C  }
0xc0: {  	s29 =	simm.s32 $0x9;
	_ =	strace $0x8000004E  }
0xc1: {  	_ =	swait.ge [sflag:s29], $0x1  }
0xc2: {  	[sflag:s29] =	ssyncadd.s32 $0xFFFFFFFF  }
0xc3: {  	_ =	strace $0x9000004E  }
0xc4: {  	_ =	sfence  }
0xc5: {  	s30 =	sld [smem:$0x0];
	_ =	sdelay $0x2  }
0xc6: {  	s31 =	sshll.u32 s1, $0xD;
	s1 =	sshrl.u32 s1, $0x2  }
0xc7: {  	s4 =	sand.u32 $0x4000, s31;
	s1 =	sadd.s32 s1, s30  }
0xc8: {  	s0 =	sor.u32 s4, s0;
	s1 =	sshll.u32 s1, $0x11  }
0xc9: {  	s0 =	sor.u32 s1, s0  }
0xca: {  	s0 =	sadd.s32 $0x8F2B, s0  }
0xcb: {  	[sflag:s0] =	ssyncadd.remote.s32 $0x1  }
0xcc: {  	_ =	sfence.sel $0xFFFF  }
0xcd: {  	[dreg:$0x0] =	wrdreg $0xFFFFFFFF;
	(pc) =	sbr.abs _section_cstart, $3  }
0xce: {  	[dreg:$0x1] =	wrdreg $0xFFFFFFFF  }
0xcf: {  	_ =	task.clear_ibuf [dreg:s22], $0x2FFFF;
	_ =	strace $0x9FFFFFFF  }
0xd0: {  	(tm) =	ssettm $0x7FFFFFFF  }
0xd1: {  	_ =	shalt  }
tec
execute0_lowered:
.L_overlay_start_1:
0x0: {  	(tag) =	ssettag $0x1  }
0x1: {  	s1 =	srdreg.scid  }
0x2: {  	s0 =	stileid.u32;
	s6 =	rddreg [dreg:$0x0]  }
0x3: {  	s19 =	simm.s32 $0x880;
	s20 =	simm.s32 $0x1080;
	s21 =	simm.s32 $0x1880  }
0x4: {  	s22 =	simm.s32 $0x2080;
	s23 =	simm.s32 $0x2880;
	s7 =	simm.s32 $0x3080  }
0x5: {  	s24 =	simm.s32 $0x3880;
	s8 =	simm.s32 $0x4080;
	s25 =	simm.s32 $0x4880  }
0x6: {  	s26 =	simm.s32 $0x5080;
	s9 =	simm.s32 $0x80;
	s1 =	sand.u32 $0x1, s1  }
0x7: {  	s11 =	simm.s32 $0x6080;
	s3 =	sshll.u32 s0, $0x6;
	s2 =	sshll.u32 s1, $0xA  }
0x8: {  	s12 =	simm.s32 $0x6880;
	s3 =	sor.u32 s3, s2;
	s2 =	simm.s32 $0x0  }
0x9: {  	s13 =	simm.s32 $0x7080;
	s14 =	simm.s32 $0x7880;
	[smem:$0x7FF] =	sst s2  }
0xa: {  	s15 =	simm.s32 $0x8080;
	_ =	strace $0x8000004D;
	[dreg:$0x4] =	wrdreg s19  }
0xb: {  	s16 =	simm.s32 $0x8880;
	s17 =	simm.s32 $0x9080;
	[dreg:$0x5] =	wrdreg s20  }
0xc: {  	s18 =	simm.s32 $0x9880;
	s28 =	simm.s32 $0xE080;
	[dreg:$0x6] =	wrdreg s21  }
0xd: {  	s29 =	simm.s32 $0xE880;
	s30 =	simm.s32 $0xF080;
	[dreg:$0x7] =	wrdreg s22  }
0xe: {  	s31 =	simm.s32 $0xF880;
	s1 =	ssub.s32 $0x2, s1;
	[dreg:$0x8] =	wrdreg s23  }
0xf: {  	s5 =	sshrl.u32 s1, $0x1;
	s4 =	sshrl.u32 s3, $0x3;
	[dreg:$0x9] =	wrdreg s7  }
0x10: {  	s3 =	sshll.u32 s3, $0x7;
	s1 =	ssub.s32 s1, s5;
	[dreg:$0xa] =	wrdreg s24  }
0x11: {  	s5 =	sadd.s32 $0xA4000, s6;
	s4 =	sadd.s32 s4, s6;
	[dreg:$0xb] =	wrdreg s8  }
0x12: {  	s3 =	sadd.s32 s3, s6;
	s7 =	smax.u32 s1, $0x1;
	[dreg:$0xc] =	wrdreg s25  }
0x13: {  	s8 =	simm.s32 $0x2;
	[dreg:$0xd] =	wrdreg s26;
	s19 =	simm.s32 $0xA080  }
0x14: {  	s20 =	simm.s32 $0xA880;
	s21 =	simm.s32 $0xB080;
	s22 =	simm.s32 $0xB880  }
0x15: {  	s23 =	simm.s32 $0xC080;
	s24 =	simm.s32 $0xC880;
	s4 =	sadd.s32 $0xA3C00, s4  }
0x16: {  	v2 =	vlaneseq.u32;
	s25 =	simm.s32 $0xD080;
	s3 =	sadd.s32 $0x103E00, s3;
	[dreg:$0x2] =	wrdreg s4  }
0x17: {  	vm0 =	vmmov $0xffff;
	v1 =	vshrl.u32 v2, $0x3;
	s26 =	simm.s32 $0xD880;
	s1 =	simm.s32 $0x1;
	[dreg:$0x3] =	wrdreg s3  }
0x18: {  	v0 =	vand.u32 $0x7, v2;
	v2 =	vor.u32 $0x8, v2;
	v1 =	vmul.u32 $0x8, v1;
	s3 =	sadd.s32 $0xA3E00, s6;
	s4 =	sadd.s32 $0xA3F00, s6;
	s6 =	sadd.s32 $0xA4100, s6  }
.LBB2_1:
0x19: {  	s0 =	rddreg [dreg:$0x2]  }
0x1a: {  	[tilespmem:s2], [sflag:$0x2] =	stream.linear.gather [hbm4b:s0+s2], $0x40, $0x38;
	[tilespmem:$0x10080] =	vst v63  }
0x1b: {  	_ =	swait.ge [sflag:s8], $0x40  }
0x1c: {  	[sflag:s8] =	ssyncset.done $0x0  }
0x1d: {  	[sflag:s8] =	ssyncadd.s32 $0xFFFFFFC0  }
0x1e: {  	v3 =	vld [tilespmem:$0x0];
	_ =	sdelay $0x4  }
0x1f: {  	v4 =	vshll.u32 v3, $0x3  }
0x20: {  	v3 =	vand.u32 $0x7, v3;
	v4 =	vand.u32 $0xFFFFFFC0, v4  }
0x21: {  	v3 =	vor.u32 v3, v4  }
0x22: {  	v4 =	vperm.xlane v3, v0;
	_ =	sdelay $0x1  }
0x23: {  	v4 =	vadd.s32 v1, v4;
	_ =	sdelay $0x4  }
0x24: {  	[tilespmem:s9], [sflag:$0x1] =	stream.indirect_vreg.gather [hbm4b:s3+s2], $0x80, v4, vm0, $0xb8;
	[tilespmem:$0x10080] =	vst v63  }
0x25: {  	s0 =	rddreg [dreg:$0x4];
	v3 =	vperm.xlane v3, v2  }
0x26: {  	[tilespmem:s0], [sflag:$0x1] =	stream.indirect_vreg.gather [hbm4b:s4+s2], $0x80, v4, vm0, $0xb8;
	[tilespmem:$0x10080] =	vst v63  }
0x27: {  	s10 =	rddreg [dreg:$0x5];
	v3 =	vadd.s32 v1, v3  }
0x28: {  	[tilespmem:s10], [sflag:$0x1] =	stream.indirect_vreg.gather [hbm4b:s5+s2], $0x80, v4, vm0, $0xb8;
	[tilespmem:$0x10080] =	vst v63  }
0x29: {  	s0 =	rddreg [dreg:$0x6]  }
0x2a: {  	[tilespmem:s0], [sflag:$0x1] =	stream.indirect_vreg.gather [hbm4b:s6+s2], $0x80, v4, vm0, $0xb8;
	[tilespmem:$0x10080] =	vst v63  }
0x2b: {  	s10 =	rddreg [dreg:$0x7]  }
0x2c: {  	[tilespmem:s10], [sflag:$0x1] =	stream.indirect_vreg.gather [hbm4b:s3+s2], $0x80, v3, vm0, $0xb8;
	[tilespmem:$0x10080] =	vst v63  }
0x2d: {  	s0 =	rddreg [dreg:$0x8]  }
0x2e: {  	[tilespmem:s0], [sflag:$0x1] =	stream.indirect_vreg.gather [hbm4b:s4+s2], $0x80, v3, vm0, $0xb8;
	[tilespmem:$0x10080] =	vst v63  }
0x2f: {  	s10 =	rddreg [dreg:$0x9]  }
0x30: {  	[tilespmem:s10], [sflag:$0x1] =	stream.indirect_vreg.gather [hbm4b:s5+s2], $0x80, v3, vm0, $0xb8;
	[tilespmem:$0x10080] =	vst v63  }
0x31: {  	s0 =	rddreg [dreg:$0xa]  }
0x32: {  	[tilespmem:s0], [sflag:$0x1] =	stream.indirect_vreg.gather [hbm4b:s6+s2], $0x80, v3, vm0, $0xb8;
	[tilespmem:$0x10080] =	vst v63  }
0x33: {  	v3 =	vld [tilespmem:$0x10];
	_ =	sdelay $0x4  }
0x34: {  	v61 =	vshll.u32 v3, $0x3  }
0x35: {  	v3 =	vand.u32 $0x7, v3;
	v4 =	vand.u32 $0xFFFFFFC0, v61  }
0x36: {  	v3 =	vor.u32 v3, v4  }
0x37: {  	v4 =	vperm.xlane v3, v0;
	_ =	sdelay $0x1  }
0x38: {  	v4 =	vadd.s32 v1, v4;
	_ =	sdelay $0x3  }
0x39: {  	s0 =	rddreg [dreg:$0xb]  }
0x3a: {  	[tilespmem:s0], [sflag:$0x1] =	stream.indirect_vreg.gather [hbm4b:s3+s2], $0x80, v4, vm0, $0xb8;
	[tilespmem:$0x10080] =	vst v63  }
0x3b: {  	s10 =	rddreg [dreg:$0xc];
	v3 =	vperm.xlane v3, v2  }
0x3c: {  	[tilespmem:s10], [sflag:$0x1] =	stream.indirect_vreg.gather [hbm4b:s4+s2], $0x80, v4, vm0, $0xb8;
	[tilespmem:$0x10080] =	vst v63  }
0x3d: {  	v3 =	vadd.s32 v1, v3;
	s0 =	rddreg [dreg:$0xd]  }
0x3e: {  	[tilespmem:s0], [sflag:$0x1] =	stream.indirect_vreg.gather [hbm4b:s5+s2], $0x80, v4, vm0, $0xb8;
	[tilespmem:$0x10080] =	vst v63  }
0x3f: {  	s10 =	simm.s32 $0x5880  }
0x40: {  	[tilespmem:s10], [sflag:$0x1] =	stream.indirect_vreg.gather [hbm4b:s6+s2], $0x80, v4, vm0, $0xb8;
	[tilespmem:$0x10080] =	vst v63  }
0x41: {  	_ = 	snop  }
0x42: {  	[tilespmem:s11], [sflag:$0x1] =	stream.indirect_vreg.gather [hbm4b:s3+s2], $0x80, v3, vm0, $0xb8;
	[tilespmem:$0x10080] =	vst v63  }
0x43: {  	_ = 	snop  }
0x44: {  	[tilespmem:s12], [sflag:$0x1] =	stream.indirect_vreg.gather [hbm4b:s4+s2], $0x80, v3, vm0, $0xb8;
	[tilespmem:$0x10080] =	vst v63  }
0x45: {  	_ = 	snop  }
0x46: {  	[tilespmem:s13], [sflag:$0x1] =	stream.indirect_vreg.gather [hbm4b:s5+s2], $0x80, v3, vm0, $0xb8;
	[tilespmem:$0x10080] =	vst v63  }
0x47: {  	_ = 	snop  }
0x48: {  	[tilespmem:s14], [sflag:$0x1] =	stream.indirect_vreg.gather [hbm4b:s6+s2], $0x80, v3, vm0, $0xb8;
	[tilespmem:$0x10080] =	vst v63  }
0x49: {  	v3 =	vld [tilespmem:$0x20];
	_ =	sdelay $0x4  }
0x4a: {  	v62 =	vshll.u32 v3, $0x3  }
0x4b: {  	v3 =	vand.u32 $0x7, v3;
	v4 =	vand.u32 $0xFFFFFFC0, v62  }
0x4c: {  	v3 =	vor.u32 v3, v4  }
0x4d: {  	v4 =	vperm.xlane v3, v0;
	_ =	sdelay $0x1  }
0x4e: {  	v4 =	vadd.s32 v1, v4;
	_ =	sdelay $0x4  }
0x4f: {  	[tilespmem:s15], [sflag:$0x1] =	stream.indirect_vreg.gather [hbm4b:s3+s2], $0x80, v4, vm0, $0xb8;
	[tilespmem:$0x10080] =	vst v63  }
0x50: {  	v3 =	vperm.xlane v3, v2  }
0x51: {  	[tilespmem:s16], [sflag:$0x1] =	stream.indirect_vreg.gather [hbm4b:s4+s2], $0x80, v4, vm0, $0xb8;
	[tilespmem:$0x10080] =	vst v63  }
0x52: {  	v3 =	vadd.s32 v1, v3  }
0x53: {  	[tilespmem:s17], [sflag:$0x1] =	stream.indirect_vreg.gather [hbm4b:s5+s2], $0x80, v4, vm0, $0xb8;
	[tilespmem:$0x10080] =	vst v63  }
0x54: {  	_ = 	snop  }
0x55: {  	[tilespmem:s18], [sflag:$0x1] =	stream.indirect_vreg.gather [hbm4b:s6+s2], $0x80, v4, vm0, $0xb8;
	[tilespmem:$0x10080] =	vst v63  }
0x56: {  	_ = 	snop  }
0x57: {  	[tilespmem:s19], [sflag:$0x1] =	stream.indirect_vreg.gather [hbm4b:s3+s2], $0x80, v3, vm0, $0xb8;
	[tilespmem:$0x10080] =	vst v63  }
0x58: {  	_ = 	snop  }
0x59: {  	[tilespmem:s20], [sflag:$0x1] =	stream.indirect_vreg.gather [hbm4b:s4+s2], $0x80, v3, vm0, $0xb8;
	[tilespmem:$0x10080] =	vst v63  }
0x5a: {  	_ = 	snop  }
0x5b: {  	[tilespmem:s21], [sflag:$0x1] =	stream.indirect_vreg.gather [hbm4b:s5+s2], $0x80, v3, vm0, $0xb8;
	[tilespmem:$0x10080] =	vst v63  }
0x5c: {  	_ = 	snop  }
0x5d: {  	[tilespmem:s22], [sflag:$0x1] =	stream.indirect_vreg.gather [hbm4b:s6+s2], $0x80, v3, vm0, $0xb8;
	[tilespmem:$0x10080] =	vst v63  }
0x5e: {  	v3 =	vld [tilespmem:$0x30];
	_ =	sdelay $0x4  }
0x5f: {  	v63 =	vshll.u32 v3, $0x3  }
0x60: {  	v3 =	vand.u32 $0x7, v3;
	v4 =	vand.u32 $0xFFFFFFC0, v63  }
0x61: {  	v3 =	vor.u32 v3, v4  }
0x62: {  	v4 =	vperm.xlane v3, v0;
	_ =	sdelay $0x1  }
0x63: {  	v4 =	vadd.s32 v1, v4;
	_ =	sdelay $0x4  }
0x64: {  	[tilespmem:s23], [sflag:$0x1] =	stream.indirect_vreg.gather [hbm4b:s3+s2], $0x80, v4, vm0, $0xb8;
	[tilespmem:$0x10080] =	vst v63  }
0x65: {  	v3 =	vperm.xlane v3, v2  }
0x66: {  	[tilespmem:s24], [sflag:$0x1] =	stream.indirect_vreg.gather [hbm4b:s4+s2], $0x80, v4, vm0, $0xb8;
	[tilespmem:$0x10080] =	vst v63  }
0x67: {  	v3 =	vadd.s32 v1, v3  }
0x68: {  	[tilespmem:s25], [sflag:$0x1] =	stream.indirect_vreg.gather [hbm4b:s5+s2], $0x80, v4, vm0, $0xb8;
	[tilespmem:$0x10080] =	vst v63  }
0x69: {  	_ = 	snop  }
0x6a: {  	[tilespmem:s26], [sflag:$0x1] =	stream.indirect_vreg.gather [hbm4b:s6+s2], $0x80, v4, vm0, $0xb8;
	[tilespmem:$0x10080] =	vst v63  }
0x6b: {  	_ = 	snop  }
0x6c: {  	[tilespmem:s28], [sflag:$0x1] =	stream.indirect_vreg.gather [hbm4b:s3+s2], $0x80, v3, vm0, $0xb8;
	[tilespmem:$0x10080] =	vst v63  }
0x6d: {  	_ = 	snop  }
0x6e: {  	[tilespmem:s29], [sflag:$0x1] =	stream.indirect_vreg.gather [hbm4b:s4+s2], $0x80, v3, vm0, $0xb8;
	[tilespmem:$0x10080] =	vst v63  }
0x6f: {  	_ = 	snop  }
0x70: {  	[tilespmem:s30], [sflag:$0x1] =	stream.indirect_vreg.gather [hbm4b:s5+s2], $0x80, v3, vm0, $0xb8;
	[tilespmem:$0x10080] =	vst v63  }
0x71: {  	_ = 	snop  }
0x72: {  	[tilespmem:s31], [sflag:$0x1] =	stream.indirect_vreg.gather [hbm4b:s6+s2], $0x80, v3, vm0, $0xb8;
	[tilespmem:$0x10080] =	vst v63  }
0x73: {  	_ =	swait.ge [sflag:s1], $0x10000  }
0x74: {  	p0 =	sne.s32 s7, $0x1;
	[sflag:s1] =	ssyncset.done $0x0  }
.Ltmp0:
0x75: {  	s10 =	rddreg [dreg:$0x3];
	[sflag:s1] =	ssyncadd.s32 $0xFFFF0000;
	(pc) =	sbr.rel @p0 .LBB2_1-.Ltmp0, $4  }
0x76: {  	[hbm4b:s10+s2] =	stream.linear.scatter [tilespmem:s9], [sflag:$0x2], $0x10000, $0x38;
	[tilespmem:$0x10080] =	vst v63  }
0x77: {  	_ =	swait.ge [sflag:s8], $0x10000  }
0x78: {  	[sflag:s8] =	ssyncset.done $0x0  }
0x79: {  	s7 =	sadd.s32 $0xFFFFFFFF, s7;
	[sflag:s8] =	ssyncadd.s32 $0xFFFF0000  }
0x7a: {  	_ =	sfence.sel $0x180000  }
0x7b: {  	[bflag:$0x0] =	sbarrier.arrive $0xFFFF  }
0x7c: {  	_ =	strace $0x9000004D  }
0x7d: {  	s0 =	stileid.u32;
	[bflag:$0x2] =	sbarrier.arrive $0xFFFF  }
0x7e: {  	p0 =	sne.s32 s0, $0x0;
	s0 =	rddreg [dreg:$0x1]  }
0x7f: {  	s0 =	sadd.s32 @!p0 $0x100000, s0  }
0x80: {  	[sflag:s0] =	ssyncadd.tile.s32 @!p0 $0x1;
	_ =	shalt  }
.Lfunc_end2:
_tile_overlayer_lowered:
.L_overlay_start_2:
0x81: {  	(tag) =	ssettag $0x2  }
0x82: {  	s0 =	rddreg [dreg:$0x0];
	s2 =	stileid.u32  }
0x83: {  	s1 =	rddreg [dreg:$0x1];
	p0 =	sne.s32 s2, $0x0  }
0x84: {  	s3 =	rddreg [dreg:$0x2];
	[bflag:$0x3] =	sbarrier.arrive $0xFFFF;
	s2 =	simm.s32 @!p0 $0x1C02  }
0x85: {  	[timem:s3], [sflag:s2] =	dma.local @!p0 [hbm:s0], s1  }
0x86: {  	s0 =	simm.s32 @!p0 $0x2  }
0x87: {  	_ =	swait.ge @!p0 [sflag:s0], s1  }
0x88: {  	s1 =	ssub.s32 @!p0 $0x0, s1;
	[sflag:s0] =	ssyncset.done @!p0 $0x0  }
0x89: {  	[sflag:s0] =	ssyncadd.s32 @!p0 s1  }
0x8a: {  	[bflag:$0x3] =	sbarrier.arrive $0xFFFF  }
0x8b: {  	_ =	shalt  }

// kernel: kernel.14.cloned.1.call-start
scs
__scs_entry_jumppad:
0x0: {  	(pc) =	sbr.rel $0x88, $3  }
0x1: {  	(tag) =	ssettag $0x0;
	lr =	simm.s32 $0x1  }
0x2: {  	[smem:$0x3F9E] =	sst lr;
	_ =	strace $0xD0000000  }
0x3: {  	_ = 	snop  }
0x4: {  	_ = 	snop  }
0x5: {  	_ = 	snop  }
0x6: {  	_ = 	snop  }
0x7: {  	_ = 	snop  }
__scs_overlays_trampoline_lowered:
0x8: {  	[smem:$0x3FAD] =	sst s0  }
0x9: {  	[smem:$0x3FAE] =	sst s1  }
0xa: {  	[smem:$0x3FAF] =	sst s2  }
0xb: {  	[smem:$0x3FB0] =	sst s3  }
0xc: {  	[smem:$0x3FB1] =	sst s4  }
0xd: {  	[smem:$0x3FB2] =	sst s5  }
0xe: {  	[smem:$0x3FB3] =	sst s6  }
0xf: {  	[smem:$0x3FB4] =	sst s7  }
0x10: {  	[smem:$0x3FB5] =	sst s8  }
0x11: {  	[smem:$0x3FB6] =	sst s9;
	s0 =	simm.s32 @!p0 $0x0  }
0x12: {  	s1 =	sld [smem:$0x3F9C];
	s0 =	simm.s32 @p0 $0x1  }
0x13: {  	[smem:$0x3FB7] =	sst s0;
	s0 =	simm.s32 @!p1 $0x0  }
0x14: {  	s2 =	sld [smem:$0x3F9B];
	s0 =	simm.s32 @p1 $0x1  }
0x15: {  	[smem:$0x3FB8] =	sst s0;
	s0 =	simm.s32 @!p2 $0x0  }
0x16: {  	s3 =	sld [smem:$0x3FDB];
	s0 =	simm.s32 @p2 $0x1  }
0x17: {  	s4 =	simm.s32 $0x1BF5;
	[smem:$0x3FBA] =	sst s0  }
0x18: {  	s0 =	sld [smem:$0x3F9D];
	_ =	swait.ge [sflag:s4], $0x0  }
0x19: {  	s7 =	sld [smem:$0x3F9E]  }
0x1a: {  	s8 =	sadd.s32 $0xFFFFE003, lr  }
0x1b: {  	s9 =	sadd.s32 $0xFFFFFEF7, lr;
	s5 =	simm.s32 $0xFFFFFFFF;
	p2 =	slt.u32 s8, $0xFFFFF086  }
0x1c: {  	p1 =	slt.u32 s9, $0xF7A;
	s5 =	simm.s32 @!p2 $0x0  }
0x1d: {  	s5 =	simm.s32 @p1 $0x1;
	p0 =	seq.s32 s7, s2  }
0x1e: {  	s7 =	smul.u32 @!p0 $0xF7A, s2;
	p2 =	seq.s32 @!p0 s5, $0x0  }
0x1f: {  	s9 =	smul.u32 $0xF7A, s1;
	s8 =	simm.s32 @!p0 $0x1BF5;
	p2 =	por !p2, p0  }
0x20: {  	[sflag:s8] =	ssyncset.s32 @!p0 $0xFFFFF086;
	s6 =	sadd.s32 @!p0 s3, s7;
	s7 =	simm.s32 @!p0 $0x108  }
0x21: {  	s3 =	sadd.s32 s3, s9;
	s6 =	sadd.s32 @!p0 $0x88, s6;
	s7 =	simm.s32 @p2 $0x1082  }
0x22: {  	[simem:s7], [sflag:s8] =	dma.local @!p0 [hbm:s6], $0xF7A  }
0x23: {  	s9 =	sor.u32 $0xD0000000, s2;
	s6 =	simm.s32 $0x108;
	_ =	swait.ge @!p0 [sflag:s8], $0x0  }
0x24: {  	s3 =	sadd.s32 $0x88, s3;
	s6 =	simm.s32 @!p1 $0x1082;
	[sflag:s4] =	ssyncset.s32 $0xFFFFF086  }
0x25: {  	[simem:s6], [sflag:s4] =	dma.local [hbm:s3], $0xF7A  }
0x26: {  	[smem:$0x3F9E] =	sst s1;
	(tag) =	ssettag s2;
	_ =	strace s9  }
0x27: {  	s1 =	sld [smem:$0x3FAE]  }
0x28: {  	s2 =	sld [smem:$0x3FAF]  }
0x29: {  	s4 =	sld [smem:$0x3FB1]  }
0x2a: {  	p0 =	seq.s32 s5, $0x0;
	s5 =	sld [smem:$0x3FB2]  }
0x2b: {  	s6 =	sld [smem:$0x3FB3]  }
0x2c: {  	s7 =	sld [smem:$0x3FB4]  }
0x2d: {  	s3 =	simm.s32 $0x108;
	s8 =	sld [smem:$0x3FB5]  }
0x2e: {  	s3 =	simm.s32 @!p0 $0x1082;
	s9 =	sld [smem:$0x3FB6]  }
0x2f: {  	lr =	sadd.s32 s0, s3;
	s0 =	sld [smem:$0x3FAD]  }
0x30: {  	s3 =	sld [smem:$0x3FB0]  }
0x31: {  	[smem:$0x3FB9] =	sst s10  }
0x32: {  	s10 =	sld [smem:$0x3FB7];
	_ =	sdelay $0x3  }
0x33: {  	p0 =	seq.s32 s10, $0x1;
	s10 =	sld [smem:$0x3FB9];
	_ =	sdelay $0x3  }
0x34: {  	[smem:$0x3FB9] =	sst s10  }
0x35: {  	s10 =	sld [smem:$0x3FB8];
	_ =	sdelay $0x3  }
0x36: {  	p1 =	seq.s32 s10, $0x1;
	s10 =	sld [smem:$0x3FB9];
	_ =	sdelay $0x3  }
0x37: {  	[smem:$0x3FB9] =	sst s10  }
0x38: {  	s10 =	sld [smem:$0x3FBA]  }
0x39: {  	_ = 	snop;
	(pc) =	sbr.ind lr, $3  }
0x3a: {  	_ = 	snop  }
0x3b: {  	_ = 	snop  }
0x3c: {  	p2 =	seq.s32 s10, $0x1;
	s10 =	sld [smem:$0x3FB9]  }
0x3d: {  	_ =	shalt  }
0x3e: {  	_ =	shalt  }
0x3f: {  	_ =	shalt  }
0x40: {  	_ =	shalt  }
0x41: {  	_ =	shalt  }
0x42: {  	_ =	shalt  }
0x43: {  	_ =	shalt  }
0x44: {  	_ =	shalt  }
0x45: {  	_ =	shalt  }
0x46: {  	_ =	shalt  }
0x47: {  	_ =	shalt  }
0x48: {  	_ =	shalt  }
0x49: {  	_ =	shalt  }
0x4a: {  	_ =	shalt  }
0x4b: {  	_ =	shalt  }
0x4c: {  	_ =	shalt  }
0x4d: {  	_ =	shalt  }
0x4e: {  	_ =	shalt  }
0x4f: {  	_ =	shalt  }
0x50: {  	_ =	shalt  }
0x51: {  	_ =	shalt  }
0x52: {  	_ =	shalt  }
0x53: {  	_ =	shalt  }
0x54: {  	_ =	shalt  }
0x55: {  	_ =	shalt  }
0x56: {  	_ =	shalt  }
0x57: {  	_ =	shalt  }
0x58: {  	_ =	shalt  }
0x59: {  	_ =	shalt  }
0x5a: {  	_ =	shalt  }
0x5b: {  	_ =	shalt  }
0x5c: {  	_ =	shalt  }
0x5d: {  	_ =	shalt  }
0x5e: {  	_ =	shalt  }
0x5f: {  	_ =	shalt  }
0x60: {  	_ =	shalt  }
0x61: {  	_ =	shalt  }
0x62: {  	_ =	shalt  }
0x63: {  	_ =	shalt  }
0x64: {  	_ =	shalt  }
0x65: {  	_ =	shalt  }
0x66: {  	_ =	shalt  }
0x67: {  	_ =	shalt  }
0x68: {  	_ =	shalt  }
0x69: {  	_ =	shalt  }
0x6a: {  	_ =	shalt  }
0x6b: {  	_ =	shalt  }
0x6c: {  	_ =	shalt  }
0x6d: {  	_ =	shalt  }
0x6e: {  	_ =	shalt  }
0x6f: {  	_ =	shalt  }
0x70: {  	_ =	shalt  }
0x71: {  	_ =	shalt  }
0x72: {  	_ =	shalt  }
0x73: {  	_ =	shalt  }
0x74: {  	_ =	shalt  }
0x75: {  	_ =	shalt  }
0x76: {  	_ =	shalt  }
0x77: {  	_ =	shalt  }
0x78: {  	_ =	shalt  }
0x79: {  	_ =	shalt  }
0x7a: {  	_ =	shalt  }
0x7b: {  	_ =	shalt  }
0x7c: {  	_ =	shalt  }
0x7d: {  	_ =	shalt  }
0x7e: {  	_ =	shalt  }
0x7f: {  	_ =	shalt  }
0x80: {  	_ =	shalt  }
0x81: {  	_ =	shalt  }
0x82: {  	_ =	shalt  }
0x83: {  	_ =	shalt  }
0x84: {  	_ =	shalt  }
0x85: {  	_ =	shalt  }
0x86: {  	_ =	shalt  }
0x87: {  	_ =	shalt  }
.Lfunc_end0:
.L_simem_size_0:
called_computation.2_lowered:
.L_overlay_start_0:
0x88: {  	s2 =	sld [smem:$0x3FD9]  }
0x89: {  	s3 =	sld [smem:$0x3FFE];
	_ =	sdelay $0x1  }
0x8a: {  	s1 =	srdreg.scid  }
0x8b: {  	s0 =	sand.u32 $0x1, s1  }
0x8c: {  	s16 =	sshll.u32 s0, $0xA;
	s2 =	sadd.s32 s3, s2  }
0x8d: {  	s2 =	sadd.s32 s2, s16  }
0x8e: {  	[smem:$0x3FC5] =	sst s2  }
0x8f: {  	_ = 	snop  }
0x90: {  	(tm) =	ssettm $0x1  }
0x91: {  	s17 =	sld [smem:$0x3FFB];
	_ =	sdelay $0x3  }
0x92: {  	_ =	strace s17  }
0x93: {  	s2 =	sld [smem:$0x3FFC];
	_ =	sdelay $0x3  }
0x94: {  	_ =	strace s2  }
0x95: {  	s2 =	sld [smem:$0x3FFD];
	_ =	sdelay $0x3  }
0x96: {  	_ =	strace s2  }
0x97: {  	_ =	strace $0x8FFFFFFF  }
0x98: {  	s18 =	sld [smem:$0x3FDB];
	_ =	sdelay $0x1  }
0x99: {  	s19 =	simm.s32 $_scs_section_size  }
0x9a: {  	s4 =	simm.s32 $_size__tile_overlayer_lowered;
	s5 =	simm.s32 $_tile_overlayer_lowered  }
0x9b: {  	s22 =	simm.s32 $0x1BFF;
	s21 =	sshll.u32 s5, $0x1;
	s2 =	sadd.s32 s19, s18  }
0x9c: {  	s6 =	simm.s32 $0x0;
	s20 =	sshll.u32 s4, $0x1;
	s4 =	sadd.s32 s21, s2  }
0x9d: {  	[timem:s6], [sflag:s22] =	dma.local [hbm:s4], s20  }
0x9e: {  	_ =	swait.ge [sflag:s22], s20  }
0x9f: {  	s3 =	ssub.s32 $0x0, s20;
	[sflag:s22] =	ssyncset.done $0x0  }
0xa0: {  	[sflag:s22] =	ssyncadd.s32 s3;
	_ =	sdelay $0x1  }
0xa1: {  	s23 =	simm.s32 $0x1B8B  }
0xa2: {  	_ =	swait.ge [sflag:s23], $0x1  }
0xa3: {  	[sflag:s23] =	ssyncset.done $0x0  }
0xa4: {  	s25 =	simm.s32 $0x1B8E;
	s24 =	sld [smem:$0x3FFE];
	[sflag:s23] =	ssyncadd.s32 $0xFFFFFFFF  }
0xa5: {  	s26 =	simm.s32 $execute0_lowered;
	[smem:$0x3FD2] =	sst s25  }
0xa6: {  	s4 =	sshll.u32 s26, $0x1;
	_ =	strace $0x80000049;
	[dreg:$0x1] =	wrdreg $0xFFFFFFFF  }
0xa7: {  	s28 =	simm.s32 $_size_execute0_lowered;
	s2 =	sadd.s32 s2, s4;
	[dreg:$0x0] =	wrdreg $0x0  }
0xa8: {  	s4 =	sshll.u32 s28, $0x1;
	[dreg:$0x2] =	wrdreg s2  }
0xa9: {  	[dreg:$0x3] =	wrdreg s4  }
0xaa: {  	[dreg:$0x4] =	wrdreg $0xC0  }
0xab: {  	_ =	task [dreg:s6], $0x5FFFF  }
0xac: {  	[dreg:$0x1] =	wrdreg $0xFFFFFFFF  }
0xad: {  	[dreg:$0x0] =	wrdreg $0x60  }
0xae: {  	[dreg:$0x2] =	wrdreg s24  }
0xaf: {  	[dreg:$0x3] =	wrdreg $0xA  }
0xb0: {  	_ =	task.clear_ibuf [dreg:s6], $0x4FFFF;
	_ =	strace $0x90000049  }
0xb1: {  	s29 =	simm.s32 $0xA;
	_ =	strace $0x8000004B  }
0xb2: {  	_ =	swait.ge [sflag:s29], $0x1  }
0xb3: {  	[sflag:s29] =	ssyncadd.s32 $0xFFFFFFFF  }
0xb4: {  	_ =	strace $0x9000004B  }
0xb5: {  	_ =	sfence  }
0xb6: {  	s30 =	sld [smem:$0x0];
	_ =	sdelay $0x2  }
0xb7: {  	s31 =	sshll.u32 s1, $0xD;
	s1 =	sshrl.u32 s1, $0x2  }
0xb8: {  	s3 =	sand.u32 $0x4000, s31;
	s1 =	sadd.s32 s1, s30  }
0xb9: {  	s0 =	sor.u32 s3, s0;
	s1 =	sshll.u32 s1, $0x11  }
0xba: {  	s0 =	sor.u32 s1, s0  }
0xbb: {  	s0 =	sadd.s32 $0x8F2B, s0  }
0xbc: {  	[sflag:s0] =	ssyncadd.remote.s32 $0x1  }
0xbd: {  	_ =	sfence.sel $0xFFFF  }
0xbe: {  	[dreg:$0x0] =	wrdreg $0xFFFFFFFF;
	(pc) =	sbr.abs _section_cstart, $3  }
0xbf: {  	[dreg:$0x1] =	wrdreg $0xFFFFFFFF  }
0xc0: {  	_ =	task.clear_ibuf [dreg:s6], $0x2FFFF;
	_ =	strace $0x9FFFFFFF  }
0xc1: {  	(tm) =	ssettm $0x7FFFFFFF  }
tec
execute0_lowered:
.L_overlay_start_1:
0x0: {  	(tag) =	ssettag $0x1  }
0x1: {  	s1 =	srdreg.scid  }
0x2: {  	s0 =	stileid.u32;
	s6 =	rddreg [dreg:$0x0]  }
0x3: {  	s19 =	simm.s32 $0x880;
	s20 =	simm.s32 $0x1080;
	s21 =	simm.s32 $0x1880  }
0x4: {  	s22 =	simm.s32 $0x2080;
	s23 =	simm.s32 $0x2880;
	s7 =	simm.s32 $0x3080  }
0x5: {  	s24 =	simm.s32 $0x3880;
	s8 =	simm.s32 $0x4080;
	s25 =	simm.s32 $0x4880  }
0x6: {  	s26 =	simm.s32 $0x5080;
	s9 =	simm.s32 $0x80;
	s1 =	sand.u32 $0x1, s1  }
0x7: {  	s11 =	simm.s32 $0x6080;
	s3 =	sshll.u32 s0, $0x6;
	s2 =	sshll.u32 s1, $0xA  }
0x8: {  	s12 =	simm.s32 $0x6880;
	s3 =	sor.u32 s3, s2;
	s2 =	simm.s32 $0x0  }
0x9: {  	s13 =	simm.s32 $0x7080;
	s14 =	simm.s32 $0x7880;
	[smem:$0x7FF] =	sst s2  }
0xa: {  	s15 =	simm.s32 $0x8080;
	_ =	strace $0x8000004A;
	[dreg:$0x4] =	wrdreg s19  }
0xb: {  	s16 =	simm.s32 $0x8880;
	s17 =	simm.s32 $0x9080;
	[dreg:$0x5] =	wrdreg s20  }
0xc: {  	s18 =	simm.s32 $0x9880;
	s28 =	simm.s32 $0xE080;
	[dreg:$0x6] =	wrdreg s21  }
0xd: {  	s29 =	simm.s32 $0xE880;
	s30 =	simm.s32 $0xF080;
	[dreg:$0x7] =	wrdreg s22  }
0xe: {  	s31 =	simm.s32 $0xF880;
	s1 =	ssub.s32 $0x2, s1;
	[dreg:$0x8] =	wrdreg s23  }
0xf: {  	s5 =	sshrl.u32 s1, $0x1;
	s4 =	sshrl.u32 s3, $0x3;
	[dreg:$0x9] =	wrdreg s7  }
0x10: {  	s3 =	sshll.u32 s3, $0x7;
	s1 =	ssub.s32 s1, s5;
	[dreg:$0xa] =	wrdreg s24  }
0x11: {  	s5 =	sadd.s32 $0xA4000, s6;
	s4 =	sadd.s32 s4, s6;
	[dreg:$0xb] =	wrdreg s8  }
0x12: {  	s3 =	sadd.s32 s3, s6;
	s7 =	smax.u32 s1, $0x1;
	[dreg:$0xc] =	wrdreg s25  }
0x13: {  	s8 =	simm.s32 $0x2;
	[dreg:$0xd] =	wrdreg s26;
	s19 =	simm.s32 $0xA080  }
0x14: {  	s20 =	simm.s32 $0xA880;
	s21 =	simm.s32 $0xB080;
	s22 =	simm.s32 $0xB880  }
0x15: {  	s23 =	simm.s32 $0xC080;
	s24 =	simm.s32 $0xC880;
	s4 =	sadd.s32 $0xA3A00, s4  }
0x16: {  	v2 =	vlaneseq.u32;
	s25 =	simm.s32 $0xD080;
	s3 =	sadd.s32 $0xC3E00, s3;
	[dreg:$0x2] =	wrdreg s4  }
0x17: {  	vm0 =	vmmov $0xffff;
	v1 =	vshrl.u32 v2, $0x3;
	s26 =	simm.s32 $0xD880;
	s1 =	simm.s32 $0x1;
	[dreg:$0x3] =	wrdreg s3  }
0x18: {  	v0 =	vand.u32 $0x7, v2;
	v2 =	vor.u32 $0x8, v2;
	v1 =	vmul.u32 $0x8, v1;
	s3 =	sadd.s32 $0xA3E00, s6;
	s4 =	sadd.s32 $0xA3F00, s6;
	s6 =	sadd.s32 $0xA4100, s6  }
.LBB2_1:
0x19: {  	s0 =	rddreg [dreg:$0x2]  }
0x1a: {  	[tilespmem:s2], [sflag:$0x2] =	stream.linear.gather [hbm4b:s0+s2], $0x40, $0x38;
	[tilespmem:$0x10080] =	vst v63  }
0x1b: {  	_ =	swait.ge [sflag:s8], $0x40  }
0x1c: {  	[sflag:s8] =	ssyncset.done $0x0  }
0x1d: {  	[sflag:s8] =	ssyncadd.s32 $0xFFFFFFC0  }
0x1e: {  	v3 =	vld [tilespmem:$0x0];
	_ =	sdelay $0x4  }
0x1f: {  	v4 =	vshll.u32 v3, $0x3  }
0x20: {  	v3 =	vand.u32 $0x7, v3;
	v4 =	vand.u32 $0xFFFFFFC0, v4  }
0x21: {  	v3 =	vor.u32 v3, v4  }
0x22: {  	v4 =	vperm.xlane v3, v0;
	_ =	sdelay $0x1  }
0x23: {  	v4 =	vadd.s32 v1, v4;
	_ =	sdelay $0x4  }
0x24: {  	[tilespmem:s9], [sflag:$0x1] =	stream.indirect_vreg.gather [hbm4b:s3+s2], $0x80, v4, vm0, $0xb8;
	[tilespmem:$0x10080] =	vst v63  }
0x25: {  	s0 =	rddreg [dreg:$0x4];
	v3 =	vperm.xlane v3, v2  }
0x26: {  	[tilespmem:s0], [sflag:$0x1] =	stream.indirect_vreg.gather [hbm4b:s4+s2], $0x80, v4, vm0, $0xb8;
	[tilespmem:$0x10080] =	vst v63  }
0x27: {  	s10 =	rddreg [dreg:$0x5];
	v3 =	vadd.s32 v1, v3  }
0x28: {  	[tilespmem:s10], [sflag:$0x1] =	stream.indirect_vreg.gather [hbm4b:s5+s2], $0x80, v4, vm0, $0xb8;
	[tilespmem:$0x10080] =	vst v63  }
0x29: {  	s0 =	rddreg [dreg:$0x6]  }
0x2a: {  	[tilespmem:s0], [sflag:$0x1] =	stream.indirect_vreg.gather [hbm4b:s6+s2], $0x80, v4, vm0, $0xb8;
	[tilespmem:$0x10080] =	vst v63  }
0x2b: {  	s10 =	rddreg [dreg:$0x7]  }
0x2c: {  	[tilespmem:s10], [sflag:$0x1] =	stream.indirect_vreg.gather [hbm4b:s3+s2], $0x80, v3, vm0, $0xb8;
	[tilespmem:$0x10080] =	vst v63  }
0x2d: {  	s0 =	rddreg [dreg:$0x8]  }
0x2e: {  	[tilespmem:s0], [sflag:$0x1] =	stream.indirect_vreg.gather [hbm4b:s4+s2], $0x80, v3, vm0, $0xb8;
	[tilespmem:$0x10080] =	vst v63  }
0x2f: {  	s10 =	rddreg [dreg:$0x9]  }
0x30: {  	[tilespmem:s10], [sflag:$0x1] =	stream.indirect_vreg.gather [hbm4b:s5+s2], $0x80, v3, vm0, $0xb8;
	[tilespmem:$0x10080] =	vst v63  }
0x31: {  	s0 =	rddreg [dreg:$0xa]  }
0x32: {  	[tilespmem:s0], [sflag:$0x1] =	stream.indirect_vreg.gather [hbm4b:s6+s2], $0x80, v3, vm0, $0xb8;
	[tilespmem:$0x10080] =	vst v63  }
0x33: {  	v3 =	vld [tilespmem:$0x10];
	_ =	sdelay $0x4  }
0x34: {  	v61 =	vshll.u32 v3, $0x3  }
0x35: {  	v3 =	vand.u32 $0x7, v3;
	v4 =	vand.u32 $0xFFFFFFC0, v61  }
0x36: {  	v3 =	vor.u32 v3, v4  }
0x37: {  	v4 =	vperm.xlane v3, v0;
	_ =	sdelay $0x1  }
0x38: {  	v4 =	vadd.s32 v1, v4;
	_ =	sdelay $0x3  }
0x39: {  	s0 =	rddreg [dreg:$0xb]  }
0x3a: {  	[tilespmem:s0], [sflag:$0x1] =	stream.indirect_vreg.gather [hbm4b:s3+s2], $0x80, v4, vm0, $0xb8;
	[tilespmem:$0x10080] =	vst v63  }
0x3b: {  	s10 =	rddreg [dreg:$0xc];
	v3 =	vperm.xlane v3, v2  }
0x3c: {  	[tilespmem:s10], [sflag:$0x1] =	stream.indirect_vreg.gather [hbm4b:s4+s2], $0x80, v4, vm0, $0xb8;
	[tilespmem:$0x10080] =	vst v63  }
0x3d: {  	v3 =	vadd.s32 v1, v3;
	s0 =	rddreg [dreg:$0xd]  }
0x3e: {  	[tilespmem:s0], [sflag:$0x1] =	stream.indirect_vreg.gather [hbm4b:s5+s2], $0x80, v4, vm0, $0xb8;
	[tilespmem:$0x10080] =	vst v63  }
0x3f: {  	s10 =	simm.s32 $0x5880  }
0x40: {  	[tilespmem:s10], [sflag:$0x1] =	stream.indirect_vreg.gather [hbm4b:s6+s2], $0x80, v4, vm0, $0xb8;
	[tilespmem:$0x10080] =	vst v63  }
0x41: {  	_ = 	snop  }
0x42: {  	[tilespmem:s11], [sflag:$0x1] =	stream.indirect_vreg.gather [hbm4b:s3+s2], $0x80, v3, vm0, $0xb8;
	[tilespmem:$0x10080] =	vst v63  }
0x43: {  	_ = 	snop  }
0x44: {  	[tilespmem:s12], [sflag:$0x1] =	stream.indirect_vreg.gather [hbm4b:s4+s2], $0x80, v3, vm0, $0xb8;
	[tilespmem:$0x10080] =	vst v63  }
0x45: {  	_ = 	snop  }
0x46: {  	[tilespmem:s13], [sflag:$0x1] =	stream.indirect_vreg.gather [hbm4b:s5+s2], $0x80, v3, vm0, $0xb8;
	[tilespmem:$0x10080] =	vst v63  }
0x47: {  	_ = 	snop  }
0x48: {  	[tilespmem:s14], [sflag:$0x1] =	stream.indirect_vreg.gather [hbm4b:s6+s2], $0x80, v3, vm0, $0xb8;
	[tilespmem:$0x10080] =	vst v63  }
0x49: {  	v3 =	vld [tilespmem:$0x20];
	_ =	sdelay $0x4  }
0x4a: {  	v62 =	vshll.u32 v3, $0x3  }
0x4b: {  	v3 =	vand.u32 $0x7, v3;
	v4 =	vand.u32 $0xFFFFFFC0, v62  }
0x4c: {  	v3 =	vor.u32 v3, v4  }
0x4d: {  	v4 =	vperm.xlane v3, v0;
	_ =	sdelay $0x1  }
0x4e: {  	v4 =	vadd.s32 v1, v4;
	_ =	sdelay $0x4  }
0x4f: {  	[tilespmem:s15], [sflag:$0x1] =	stream.indirect_vreg.gather [hbm4b:s3+s2], $0x80, v4, vm0, $0xb8;
	[tilespmem:$0x10080] =	vst v63  }
0x50: {  	v3 =	vperm.xlane v3, v2  }
0x51: {  	[tilespmem:s16], [sflag:$0x1] =	stream.indirect_vreg.gather [hbm4b:s4+s2], $0x80, v4, vm0, $0xb8;
	[tilespmem:$0x10080] =	vst v63  }
0x52: {  	v3 =	vadd.s32 v1, v3  }
0x53: {  	[tilespmem:s17], [sflag:$0x1] =	stream.indirect_vreg.gather [hbm4b:s5+s2], $0x80, v4, vm0, $0xb8;
	[tilespmem:$0x10080] =	vst v63  }
0x54: {  	_ = 	snop  }
0x55: {  	[tilespmem:s18], [sflag:$0x1] =	stream.indirect_vreg.gather [hbm4b:s6+s2], $0x80, v4, vm0, $0xb8;
	[tilespmem:$0x10080] =	vst v63  }
0x56: {  	_ = 	snop  }
0x57: {  	[tilespmem:s19], [sflag:$0x1] =	stream.indirect_vreg.gather [hbm4b:s3+s2], $0x80, v3, vm0, $0xb8;
	[tilespmem:$0x10080] =	vst v63  }
0x58: {  	_ = 	snop  }
0x59: {  	[tilespmem:s20], [sflag:$0x1] =	stream.indirect_vreg.gather [hbm4b:s4+s2], $0x80, v3, vm0, $0xb8;
	[tilespmem:$0x10080] =	vst v63  }
0x5a: {  	_ = 	snop  }
0x5b: {  	[tilespmem:s21], [sflag:$0x1] =	stream.indirect_vreg.gather [hbm4b:s5+s2], $0x80, v3, vm0, $0xb8;
	[tilespmem:$0x10080] =	vst v63  }
0x5c: {  	_ = 	snop  }
0x5d: {  	[tilespmem:s22], [sflag:$0x1] =	stream.indirect_vreg.gather [hbm4b:s6+s2], $0x80, v3, vm0, $0xb8;
	[tilespmem:$0x10080] =	vst v63  }
0x5e: {  	v3 =	vld [tilespmem:$0x30];
	_ =	sdelay $0x4  }
0x5f: {  	v63 =	vshll.u32 v3, $0x3  }
0x60: {  	v3 =	vand.u32 $0x7, v3;
	v4 =	vand.u32 $0xFFFFFFC0, v63  }
0x61: {  	v3 =	vor.u32 v3, v4  }
0x62: {  	v4 =	vperm.xlane v3, v0;
	_ =	sdelay $0x1  }
0x63: {  	v4 =	vadd.s32 v1, v4;
	_ =	sdelay $0x4  }
0x64: {  	[tilespmem:s23], [sflag:$0x1] =	stream.indirect_vreg.gather [hbm4b:s3+s2], $0x80, v4, vm0, $0xb8;
	[tilespmem:$0x10080] =	vst v63  }
0x65: {  	v3 =	vperm.xlane v3, v2  }
0x66: {  	[tilespmem:s24], [sflag:$0x1] =	stream.indirect_vreg.gather [hbm4b:s4+s2], $0x80, v4, vm0, $0xb8;
	[tilespmem:$0x10080] =	vst v63  }
0x67: {  	v3 =	vadd.s32 v1, v3  }
0x68: {  	[tilespmem:s25], [sflag:$0x1] =	stream.indirect_vreg.gather [hbm4b:s5+s2], $0x80, v4, vm0, $0xb8;
	[tilespmem:$0x10080] =	vst v63  }
0x69: {  	_ = 	snop  }
0x6a: {  	[tilespmem:s26], [sflag:$0x1] =	stream.indirect_vreg.gather [hbm4b:s6+s2], $0x80, v4, vm0, $0xb8;
	[tilespmem:$0x10080] =	vst v63  }
0x6b: {  	_ = 	snop  }
0x6c: {  	[tilespmem:s28], [sflag:$0x1] =	stream.indirect_vreg.gather [hbm4b:s3+s2], $0x80, v3, vm0, $0xb8;
	[tilespmem:$0x10080] =	vst v63  }
0x6d: {  	_ = 	snop  }
0x6e: {  	[tilespmem:s29], [sflag:$0x1] =	stream.indirect_vreg.gather [hbm4b:s4+s2], $0x80, v3, vm0, $0xb8;
	[tilespmem:$0x10080] =	vst v63  }
0x6f: {  	_ = 	snop  }
0x70: {  	[tilespmem:s30], [sflag:$0x1] =	stream.indirect_vreg.gather [hbm4b:s5+s2], $0x80, v3, vm0, $0xb8;
	[tilespmem:$0x10080] =	vst v63  }
0x71: {  	_ = 	snop  }
0x72: {  	[tilespmem:s31], [sflag:$0x1] =	stream.indirect_vreg.gather [hbm4b:s6+s2], $0x80, v3, vm0, $0xb8;
	[tilespmem:$0x10080] =	vst v63  }
0x73: {  	_ =	swait.ge [sflag:s1], $0x10000  }
0x74: {  	p0 =	sne.s32 s7, $0x1;
	[sflag:s1] =	ssyncset.done $0x0  }
.Ltmp0:
0x75: {  	s10 =	rddreg [dreg:$0x3];
	[sflag:s1] =	ssyncadd.s32 $0xFFFF0000;
	(pc) =	sbr.rel @p0 .LBB2_1-.Ltmp0, $4  }
0x76: {  	[hbm4b:s10+s2] =	stream.linear.scatter [tilespmem:s9], [sflag:$0x2], $0x10000, $0x38;
	[tilespmem:$0x10080] =	vst v63  }
0x77: {  	_ =	swait.ge [sflag:s8], $0x10000  }
0x78: {  	[sflag:s8] =	ssyncset.done $0x0  }
0x79: {  	s7 =	sadd.s32 $0xFFFFFFFF, s7;
	[sflag:s8] =	ssyncadd.s32 $0xFFFF0000  }
0x7a: {  	_ =	sfence.sel $0x180000  }
0x7b: {  	[bflag:$0x0] =	sbarrier.arrive $0xFFFF  }
0x7c: {  	_ =	strace $0x9000004A  }
0x7d: {  	s0 =	stileid.u32;
	[bflag:$0x2] =	sbarrier.arrive $0xFFFF  }
0x7e: {  	p0 =	sne.s32 s0, $0x0;
	s0 =	rddreg [dreg:$0x1]  }
0x7f: {  	s0 =	sadd.s32 @!p0 $0x100000, s0  }
0x80: {  	[sflag:s0] =	ssyncadd.tile.s32 @!p0 $0x1;
	_ =	shalt  }
.Lfunc_end2:
_tile_overlayer_lowered:
.L_overlay_start_2:
0x81: {  	(tag) =	ssettag $0x2  }
0x82: {  	s0 =	rddreg [dreg:$0x0];
	s2 =	stileid.u32  }
0x83: {  	s1 =	rddreg [dreg:$0x1];
	p0 =	sne.s32 s2, $0x0  }
0x84: {  	s3 =	rddreg [dreg:$0x2];
	[bflag:$0x3] =	sbarrier.arrive $0xFFFF;
	s2 =	simm.s32 @!p0 $0x1C02  }
0x85: {  	[timem:s3], [sflag:s2] =	dma.local @!p0 [hbm:s0], s1  }
0x86: {  	s0 =	simm.s32 @!p0 $0x2  }
0x87: {  	_ =	swait.ge @!p0 [sflag:s0], s1  }
0x88: {  	s1 =	ssub.s32 @!p0 $0x0, s1;
	[sflag:s0] =	ssyncset.done @!p0 $0x0  }
0x89: {  	[sflag:s0] =	ssyncadd.s32 @!p0 s1  }
0x8a: {  	[bflag:$0x3] =	sbarrier.arrive $0xFFFF  }
0x8b: {  	_ =	shalt  }

// kernel: kernel.8.cloned.1.call-start
scs
__scs_entry_jumppad:
0x0: {  	(pc) =	sbr.rel $0x88, $3  }
0x1: {  	(tag) =	ssettag $0x0;
	lr =	simm.s32 $0x1  }
0x2: {  	[smem:$0x3F9E] =	sst lr;
	_ =	strace $0xD0000000  }
0x3: {  	_ = 	snop  }
0x4: {  	_ = 	snop  }
0x5: {  	_ = 	snop  }
0x6: {  	_ = 	snop  }
0x7: {  	_ = 	snop  }
__scs_overlays_trampoline_lowered:
0x8: {  	[smem:$0x3FAD] =	sst s0  }
0x9: {  	[smem:$0x3FAE] =	sst s1  }
0xa: {  	[smem:$0x3FAF] =	sst s2  }
0xb: {  	[smem:$0x3FB0] =	sst s3  }
0xc: {  	[smem:$0x3FB1] =	sst s4  }
0xd: {  	[smem:$0x3FB2] =	sst s5  }
0xe: {  	[smem:$0x3FB3] =	sst s6  }
0xf: {  	[smem:$0x3FB4] =	sst s7  }
0x10: {  	[smem:$0x3FB5] =	sst s8  }
0x11: {  	[smem:$0x3FB6] =	sst s9;
	s0 =	simm.s32 @!p0 $0x0  }
0x12: {  	s1 =	sld [smem:$0x3F9C];
	s0 =	simm.s32 @p0 $0x1  }
0x13: {  	[smem:$0x3FB7] =	sst s0;
	s0 =	simm.s32 @!p1 $0x0  }
0x14: {  	s2 =	sld [smem:$0x3F9B];
	s0 =	simm.s32 @p1 $0x1  }
0x15: {  	[smem:$0x3FB8] =	sst s0;
	s0 =	simm.s32 @!p2 $0x0  }
0x16: {  	s3 =	sld [smem:$0x3FDB];
	s0 =	simm.s32 @p2 $0x1  }
0x17: {  	s4 =	simm.s32 $0x1BF5;
	[smem:$0x3FBA] =	sst s0  }
0x18: {  	s0 =	sld [smem:$0x3F9D];
	_ =	swait.ge [sflag:s4], $0x0  }
0x19: {  	s7 =	sld [smem:$0x3F9E]  }
0x1a: {  	s8 =	sadd.s32 $0xFFFFE003, lr  }
0x1b: {  	s9 =	sadd.s32 $0xFFFFFEF7, lr;
	s5 =	simm.s32 $0xFFFFFFFF;
	p2 =	slt.u32 s8, $0xFFFFF086  }
0x1c: {  	p1 =	slt.u32 s9, $0xF7A;
	s5 =	simm.s32 @!p2 $0x0  }
0x1d: {  	s5 =	simm.s32 @p1 $0x1;
	p0 =	seq.s32 s7, s2  }
0x1e: {  	s7 =	smul.u32 @!p0 $0xF7A, s2;
	p2 =	seq.s32 @!p0 s5, $0x0  }
0x1f: {  	s9 =	smul.u32 $0xF7A, s1;
	s8 =	simm.s32 @!p0 $0x1BF5;
	p2 =	por !p2, p0  }
0x20: {  	[sflag:s8] =	ssyncset.s32 @!p0 $0xFFFFF086;
	s6 =	sadd.s32 @!p0 s3, s7;
	s7 =	simm.s32 @!p0 $0x108  }
0x21: {  	s3 =	sadd.s32 s3, s9;
	s6 =	sadd.s32 @!p0 $0x88, s6;
	s7 =	simm.s32 @p2 $0x1082  }
0x22: {  	[simem:s7], [sflag:s8] =	dma.local @!p0 [hbm:s6], $0xF7A  }
0x23: {  	s9 =	sor.u32 $0xD0000000, s2;
	s6 =	simm.s32 $0x108;
	_ =	swait.ge @!p0 [sflag:s8], $0x0  }
0x24: {  	s3 =	sadd.s32 $0x88, s3;
	s6 =	simm.s32 @!p1 $0x1082;
	[sflag:s4] =	ssyncset.s32 $0xFFFFF086  }
0x25: {  	[simem:s6], [sflag:s4] =	dma.local [hbm:s3], $0xF7A  }
0x26: {  	[smem:$0x3F9E] =	sst s1;
	(tag) =	ssettag s2;
	_ =	strace s9  }
0x27: {  	s1 =	sld [smem:$0x3FAE]  }
0x28: {  	s2 =	sld [smem:$0x3FAF]  }
0x29: {  	s4 =	sld [smem:$0x3FB1]  }
0x2a: {  	p0 =	seq.s32 s5, $0x0;
	s5 =	sld [smem:$0x3FB2]  }
0x2b: {  	s6 =	sld [smem:$0x3FB3]  }
0x2c: {  	s7 =	sld [smem:$0x3FB4]  }
0x2d: {  	s3 =	simm.s32 $0x108;
	s8 =	sld [smem:$0x3FB5]  }
0x2e: {  	s3 =	simm.s32 @!p0 $0x1082;
	s9 =	sld [smem:$0x3FB6]  }
0x2f: {  	lr =	sadd.s32 s0, s3;
	s0 =	sld [smem:$0x3FAD]  }
0x30: {  	s3 =	sld [smem:$0x3FB0]  }
0x31: {  	[smem:$0x3FB9] =	sst s10  }
0x32: {  	s10 =	sld [smem:$0x3FB7];
	_ =	sdelay $0x3  }
0x33: {  	p0 =	seq.s32 s10, $0x1;
	s10 =	sld [smem:$0x3FB9];
	_ =	sdelay $0x3  }
0x34: {  	[smem:$0x3FB9] =	sst s10  }
0x35: {  	s10 =	sld [smem:$0x3FB8];
	_ =	sdelay $0x3  }
0x36: {  	p1 =	seq.s32 s10, $0x1;
	s10 =	sld [smem:$0x3FB9];
	_ =	sdelay $0x3  }
0x37: {  	[smem:$0x3FB9] =	sst s10  }
0x38: {  	s10 =	sld [smem:$0x3FBA]  }
0x39: {  	_ = 	snop;
	(pc) =	sbr.ind lr, $3  }
0x3a: {  	_ = 	snop  }
0x3b: {  	_ = 	snop  }
0x3c: {  	p2 =	seq.s32 s10, $0x1;
	s10 =	sld [smem:$0x3FB9]  }
0x3d: {  	_ =	shalt  }
0x3e: {  	_ =	shalt  }
0x3f: {  	_ =	shalt  }
0x40: {  	_ =	shalt  }
0x41: {  	_ =	shalt  }
0x42: {  	_ =	shalt  }
0x43: {  	_ =	shalt  }
0x44: {  	_ =	shalt  }
0x45: {  	_ =	shalt  }
0x46: {  	_ =	shalt  }
0x47: {  	_ =	shalt  }
0x48: {  	_ =	shalt  }
0x49: {  	_ =	shalt  }
0x4a: {  	_ =	shalt  }
0x4b: {  	_ =	shalt  }
0x4c: {  	_ =	shalt  }
0x4d: {  	_ =	shalt  }
0x4e: {  	_ =	shalt  }
0x4f: {  	_ =	shalt  }
0x50: {  	_ =	shalt  }
0x51: {  	_ =	shalt  }
0x52: {  	_ =	shalt  }
0x53: {  	_ =	shalt  }
0x54: {  	_ =	shalt  }
0x55: {  	_ =	shalt  }
0x56: {  	_ =	shalt  }
0x57: {  	_ =	shalt  }
0x58: {  	_ =	shalt  }
0x59: {  	_ =	shalt  }
0x5a: {  	_ =	shalt  }
0x5b: {  	_ =	shalt  }
0x5c: {  	_ =	shalt  }
0x5d: {  	_ =	shalt  }
0x5e: {  	_ =	shalt  }
0x5f: {  	_ =	shalt  }
0x60: {  	_ =	shalt  }
0x61: {  	_ =	shalt  }
0x62: {  	_ =	shalt  }
0x63: {  	_ =	shalt  }
0x64: {  	_ =	shalt  }
0x65: {  	_ =	shalt  }
0x66: {  	_ =	shalt  }
0x67: {  	_ =	shalt  }
0x68: {  	_ =	shalt  }
0x69: {  	_ =	shalt  }
0x6a: {  	_ =	shalt  }
0x6b: {  	_ =	shalt  }
0x6c: {  	_ =	shalt  }
0x6d: {  	_ =	shalt  }
0x6e: {  	_ =	shalt  }
0x6f: {  	_ =	shalt  }
0x70: {  	_ =	shalt  }
0x71: {  	_ =	shalt  }
0x72: {  	_ =	shalt  }
0x73: {  	_ =	shalt  }
0x74: {  	_ =	shalt  }
0x75: {  	_ =	shalt  }
0x76: {  	_ =	shalt  }
0x77: {  	_ =	shalt  }
0x78: {  	_ =	shalt  }
0x79: {  	_ =	shalt  }
0x7a: {  	_ =	shalt  }
0x7b: {  	_ =	shalt  }
0x7c: {  	_ =	shalt  }
0x7d: {  	_ =	shalt  }
0x7e: {  	_ =	shalt  }
0x7f: {  	_ =	shalt  }
0x80: {  	_ =	shalt  }
0x81: {  	_ =	shalt  }
0x82: {  	_ =	shalt  }
0x83: {  	_ =	shalt  }
0x84: {  	_ =	shalt  }
0x85: {  	_ =	shalt  }
0x86: {  	_ =	shalt  }
0x87: {  	_ =	shalt  }
.Lfunc_end0:
.L_simem_size_0:
called_computation_lowered:
.L_overlay_start_0:
0x88: {  	s2 =	sld [smem:$0x3FD9]  }
0x89: {  	s3 =	sld [smem:$0x3FFE];
	_ =	sdelay $0x1  }
0x8a: {  	s1 =	srdreg.scid  }
0x8b: {  	s0 =	sand.u32 $0x1, s1  }
0x8c: {  	s16 =	sshll.u32 s0, $0xA;
	s2 =	sadd.s32 s3, s2  }
0x8d: {  	s2 =	sadd.s32 s2, s16  }
0x8e: {  	[smem:$0x3FC5] =	sst s2  }
0x8f: {  	_ = 	snop  }
0x90: {  	(tm) =	ssettm $0x1  }
0x91: {  	s17 =	sld [smem:$0x3FFB];
	_ =	sdelay $0x3  }
0x92: {  	_ =	strace s17  }
0x93: {  	s2 =	sld [smem:$0x3FFC];
	_ =	sdelay $0x3  }
0x94: {  	_ =	strace s2  }
0x95: {  	s2 =	sld [smem:$0x3FFD];
	_ =	sdelay $0x3  }
0x96: {  	_ =	strace s2  }
0x97: {  	_ =	strace $0x8FFFFFFF  }
0x98: {  	s18 =	sld [smem:$0x3FDB];
	_ =	sdelay $0x1  }
0x99: {  	s19 =	simm.s32 $_scs_section_size  }
0x9a: {  	s4 =	simm.s32 $_size__tile_overlayer_lowered;
	s5 =	simm.s32 $_tile_overlayer_lowered  }
0x9b: {  	s22 =	simm.s32 $0x1BFF;
	s21 =	sshll.u32 s5, $0x1;
	s2 =	sadd.s32 s19, s18  }
0x9c: {  	s6 =	simm.s32 $0x0;
	s20 =	sshll.u32 s4, $0x1;
	s4 =	sadd.s32 s21, s2  }
0x9d: {  	[timem:s6], [sflag:s22] =	dma.local [hbm:s4], s20  }
0x9e: {  	_ =	swait.ge [sflag:s22], s20  }
0x9f: {  	s3 =	ssub.s32 $0x0, s20;
	[sflag:s22] =	ssyncset.done $0x0  }
0xa0: {  	[sflag:s22] =	ssyncadd.s32 s3;
	_ =	sdelay $0x1  }
0xa1: {  	s23 =	simm.s32 $0x1B8B  }
0xa2: {  	_ =	swait.ge [sflag:s23], $0x1  }
0xa3: {  	[sflag:s23] =	ssyncset.done $0x0  }
0xa4: {  	s25 =	simm.s32 $0x1B8E;
	s24 =	sld [smem:$0x3FFE];
	[sflag:s23] =	ssyncadd.s32 $0xFFFFFFFF  }
0xa5: {  	s26 =	simm.s32 $execute0_lowered;
	[smem:$0x3FD2] =	sst s25  }
0xa6: {  	s4 =	sshll.u32 s26, $0x1;
	_ =	strace $0x80000046;
	[dreg:$0x1] =	wrdreg $0xFFFFFFFF  }
0xa7: {  	s28 =	simm.s32 $_size_execute0_lowered;
	s2 =	sadd.s32 s2, s4;
	[dreg:$0x0] =	wrdreg $0x0  }
0xa8: {  	s4 =	sshll.u32 s28, $0x1;
	[dreg:$0x2] =	wrdreg s2  }
0xa9: {  	[dreg:$0x3] =	wrdreg s4  }
0xaa: {  	[dreg:$0x4] =	wrdreg $0xC0  }
0xab: {  	_ =	task [dreg:s6], $0x5FFFF  }
0xac: {  	[dreg:$0x1] =	wrdreg $0xFFFFFFFF  }
0xad: {  	[dreg:$0x0] =	wrdreg $0x60  }
0xae: {  	[dreg:$0x2] =	wrdreg s24  }
0xaf: {  	[dreg:$0x3] =	wrdreg $0x9  }
0xb0: {  	_ =	task.clear_ibuf [dreg:s6], $0x4FFFF;
	_ =	strace $0x90000046  }
0xb1: {  	s29 =	simm.s32 $0x9;
	_ =	strace $0x80000048  }
0xb2: {  	_ =	swait.ge [sflag:s29], $0x1  }
0xb3: {  	[sflag:s29] =	ssyncadd.s32 $0xFFFFFFFF  }
0xb4: {  	_ =	strace $0x90000048  }
0xb5: {  	_ =	sfence  }
0xb6: {  	s30 =	sld [smem:$0x0];
	_ =	sdelay $0x2  }
0xb7: {  	s31 =	sshll.u32 s1, $0xD;
	s1 =	sshrl.u32 s1, $0x2  }
0xb8: {  	s3 =	sand.u32 $0x4000, s31;
	s1 =	sadd.s32 s1, s30  }
0xb9: {  	s0 =	sor.u32 s3, s0;
	s1 =	sshll.u32 s1, $0x11  }
0xba: {  	s0 =	sor.u32 s1, s0  }
0xbb: {  	s0 =	sadd.s32 $0x8F2B, s0  }
0xbc: {  	[sflag:s0] =	ssyncadd.remote.s32 $0x1  }
0xbd: {  	_ =	sfence.sel $0xFFFF  }
0xbe: {  	[dreg:$0x0] =	wrdreg $0xFFFFFFFF;
	(pc) =	sbr.abs _section_cstart, $3  }
0xbf: {  	[dreg:$0x1] =	wrdreg $0xFFFFFFFF  }
0xc0: {  	_ =	task.clear_ibuf [dreg:s6], $0x2FFFF;
	_ =	strace $0x9FFFFFFF  }
0xc1: {  	(tm) =	ssettm $0x7FFFFFFF  }
tec
execute0_lowered:
.L_overlay_start_1:
0x0: {  	(tag) =	ssettag $0x1  }
0x1: {  	s4 =	rddreg [dreg:$0x0];
	s2 =	srdreg.scid  }
0x2: {  	s0 =	rddreg [dreg:$0x1];
	s1 =	stileid.u32;
	s9 =	simm.s32 $0x0  }
0x3: {  	s3 =	sand.u32 $0x1, s2;
	s2 =	simm.s32 $0x0;
	s6 =	sshll.u32 s1, $0xF  }
0x4: {  	s5 =	sshll.u32 s3, $0x13;
	[smem:$0x7FF] =	sst s2;
	s31 =	ssub.s32 $0x2, s3  }
0x5: {  	s3 =	sadd.s32 $0x81A00, s4;
	s7 =	sor.u32 s6, s5;
	s8 =	sshrl.u32 s31, $0x1  }
0x6: {  	_ =	strace $0x80000047;
	s6 =	sshrl.u32 s7, $0x3;
	s5 =	ssub.s32 s31, s8  }
0x7: {  	v0 =	vmov s7;
	s7 =	simm.s32 $0x10000;
	s8 =	simm.s32 $0x2;
	s4 =	sadd.s32 s6, s4  }
0x8: {  	v1 =	vimm.f32 $0.0e+00;
	v2 =	vimm.f32 $1.000000000e+00;
	s5 =	smax.u32 s5, $0x1;
	s6 =	simm.s32 $0x1;
	s4 =	sadd.s32 $0x83A00, s4  }
.LBB2_1:
0x9: {  	[tilespmem:s2], [sflag:$0x1] =	stream.linear.gather [hbm4b:s3+s2], $0x10000, $0x38;
	[tilespmem:$0x18000] =	vst v63  }
0xa: {  	s10 =	simm.s32 $0x10040  }
0xb: {  	[tilespmem:s10+$0xFFFFFFC0] =	vst v1  }
0xc: {  	[tilespmem:s10+$0x30] =	vst v1  }
0xd: {  	[tilespmem:s10+$0x20] =	vst v1  }
0xe: {  	[tilespmem:s10+$0x10] =	vst v1  }
0xf: {  	[tilespmem:s10+$0x0] =	vst v1  }
0x10: {  	[tilespmem:s10+$0xFFFFFFF0] =	vst v1  }
0x11: {  	s11 =	simm.s32 $0x0;
	[tilespmem:s10+$0xFFFFFFE0] =	vst v1  }
.LBB2_2:
0x12: {  	s11 =	sadd.s32 $0x8, s11;
	[tilespmem:s10+$0xFFFFFFD0] =	vst v1;
	s10 =	sadd.s32 $0x80, s10  }
0x13: {  	[tilespmem:s10+$0xFFFFFFC0] =	vst v1;
	p0 =	slt.u32 s11, $0x7F8  }
0x14: {  	[tilespmem:s10+$0x30] =	vst v1  }
.Ltmp0:
0x15: {  	[tilespmem:s10+$0x20] =	vst v1;
	(pc) =	sbr.rel @p0 .LBB2_2-.Ltmp0, $4  }
0x16: {  	[tilespmem:s10+$0x10] =	vst v1  }
0x17: {  	[tilespmem:s10+$0x0] =	vst v1  }
0x18: {  	[tilespmem:s10+$0xFFFFFFF0] =	vst v1  }
0x19: {  	[tilespmem:s10+$0xFFFFFFE0] =	vst v1  }
0x1a: {  	[tilespmem:s10+$0xFFFFFFD0] =	vst v1  }
0x1b: {  	_ =	swait.ge [sflag:s6], $0x10000  }
0x1c: {  	[sflag:s6] =	ssyncset.done $0x0  }
0x1d: {  	s10 =	simm.s32 $0x80;
	[sflag:s6] =	ssyncadd.s32 $0xFFFF0000  }
0x1e: {  	v3 =	vld [tilespmem:s10+$0xFFFFFF80]  }
0x1f: {  	v4 =	vld [tilespmem:s10+$0xFFFFFFB0]  }
0x20: {  	v5 =	vld [tilespmem:s10+$0x70]  }
0x21: {  	v6 =	vld [tilespmem:s10+$0x60]  }
0x22: {  	v7 =	vld [tilespmem:s10+$0x50]  }
0x23: {  	v8 =	vld [tilespmem:s10+$0x40]  }
0x24: {  	v9 =	vld [tilespmem:s10+$0x30]  }
0x25: {  	v10 =	vld [tilespmem:s10+$0x20]  }
0x26: {  	v11 =	vld [tilespmem:s10+$0x10]  }
0x27: {  	v13 =	vld [tilespmem:s10+$0xFFFFFFF0];
	v5 =	vsub.s32 v5, v0  }
0x28: {  	v12 =	vld [tilespmem:s10+$0x0];
	v8 =	vsub.s32 v8, v0;
	vm0 =	vlt.u32 v5, $0x8000  }
0x29: {  	v14 =	vld [tilespmem:s10+$0xFFFFFFE0];
	v9 =	vsub.s32 v9, v0;
	vm1 =	vlt.u32 v8, $0x8000;
	v5 =	vnsel vm0, $0x0, v5  }
0x2a: {  	v15 =	vld [tilespmem:s10+$0xFFFFFFD0];
	v7 =	vsub.s32 v7, v0;
	vm2 =	vlt.u32 v9, $0x8000;
	v8 =	vnsel vm1, $0x0, v8  }
0x2b: {  	v16 =	vld [tilespmem:s10+$0xFFFFFFC0];
	v3 =	vsub.s32 v3, v0;
	vm3 =	vlt.u32 v7, $0x8000;
	v9 =	vnsel vm2, $0x0, v9  }
0x2c: {  	v59 =	vld [tilespmem:s10+$0xFFFFFFA0];
	v13 =	vsub.s32 v13, v0;
	vm4 =	vlt.u32 v3, $0x8000;
	v7 =	vnsel vm3, $0x0, v7  }
0x2d: {  	v17 =	vld [tilespmem:s10+$0xFFFFFF90];
	v6 =	vsub.s32 v6, v0;
	vm6 =	vlt.u32 v13, $0x8000;
	v3 =	vnsel vm4, $0x0, v3  }
0x2e: {  	v60 =	vnsel vm6, $0x0, v13;
	[tilespmem:v5+s7+$0x0] =	vst.idx.add.f32.msk vm0, v2;
	vm0 =	vlt.u32 v6, $0x8000;
	v5 =	vsub.s32 v11, v0  }
0x2f: {  	v14 =	vsub.s32 v14, v0;
	[tilespmem:v8+s7+$0x0] =	vst.idx.add.f32.msk vm1, v2;
	v6 =	vnsel vm0, $0x0, v6;
	vm5 =	vlt.u32 v5, $0x8000  }
0x30: {  	v61 =	vsub.s32 v16, v0;
	vm1 =	vlt.u32 v14, $0x8000;
	[tilespmem:v9+s7+$0x0] =	vst.idx.add.f32.msk vm2, v2;
	v5 =	vnsel vm5, $0x0, v5  }
0x31: {  	vm7 =	vlt.u32 v61, $0x8000;
	v8 =	vsub.s32 v10, v0;
	[tilespmem:v7+s7+$0x0] =	vst.idx.add.f32.msk vm3, v2;
	v62 =	vnsel vm1, $0x0, v14  }
0x32: {  	v63 =	vsub.s32 v59, v0;
	[tilespmem:v3+s7+$0x0] =	vst.idx.add.f32.msk vm4, v2;
	v9 =	vnsel vm7, $0x0, v61;
	vm2 =	vlt.u32 v8, $0x8000  }
0x33: {  	[tilespmem:v60+s7+$0x0] =	vst.idx.add.f32.msk vm6, v2;
	v3 =	vsub.s32 v4, v0;
	v7 =	vnsel vm2, $0x0, v8;
	v8 =	vsub.s32 v15, v0  }
0x34: {  	vm6 =	vlt.u32 v63, $0x8000;
	vm3 =	vlt.u32 v3, $0x8000;
	vm4 =	vlt.u32 v8, $0x8000;
	[tilespmem:v6+s7+$0x0] =	vst.idx.add.f32.msk vm0, v2  }
0x35: {  	v8 =	vnsel vm4, $0x0, v8;
	v6 =	vsub.s32 v17, v0;
	[tilespmem:v5+s7+$0x0] =	vst.idx.add.f32.msk vm5, v2;
	v5 =	vsub.s32 v12, v0  }
0x36: {  	v3 =	vnsel vm3, $0x0, v3;
	[tilespmem:v62+s7+$0x0] =	vst.idx.add.f32.msk vm1, v2;
	vm1 =	vlt.u32 v6, $0x8000;
	vm0 =	vlt.u32 v5, $0x8000  }
0x37: {  	v4 =	vnsel vm0, $0x0, v5;
	v5 =	vnsel vm1, $0x0, v6;
	v6 =	vnsel vm6, $0x0, v63  }
0x38: {  	[tilespmem:v9+s7+$0x0] =	vst.idx.add.f32.msk vm7, v2  }
0x39: {  	[tilespmem:v7+s7+$0x0] =	vst.idx.add.f32.msk vm2, v2  }
0x3a: {  	s11 =	simm.s32 $0x0;
	[tilespmem:v8+s7+$0x0] =	vst.idx.add.f32.msk vm4, v2  }
.LBB2_4:
0x3b: {  	s11 =	sadd.s32 $0x10, s11;
	[tilespmem:v3+s7+$0x0] =	vst.idx.add.f32.msk vm3, v2;
	s10 =	sadd.s32 $0x100, s10  }
0x3c: {  	p0 =	slt.u32 s11, $0xFF0;
	[tilespmem:v6+s7+$0x0] =	vst.idx.add.f32.msk vm6, v2  }
0x3d: {  	[tilespmem:v5+s7+$0x0] =	vst.idx.add.f32.msk vm1, v2  }
0x3e: {  	[tilespmem:v4+s7+$0x0] =	vst.idx.add.f32.msk vm0, v2  }
0x3f: {  	v3 =	vld [tilespmem:s10+$0xFFFFFF80]  }
0x40: {  	v4 =	vld [tilespmem:s10+$0xFFFFFFB0]  }
0x41: {  	v5 =	vld [tilespmem:s10+$0x70]  }
0x42: {  	v6 =	vld [tilespmem:s10+$0x60]  }
0x43: {  	v7 =	vld [tilespmem:s10+$0x50]  }
0x44: {  	v3 =	vsub.s32 v3, v0;
	v8 =	vld [tilespmem:s10+$0x40]  }
0x45: {  	v9 =	vld [tilespmem:s10+$0x30]  }
0x46: {  	v10 =	vld [tilespmem:s10+$0x20];
	v5 =	vsub.s32 v5, v0  }
0x47: {  	v11 =	vld [tilespmem:s10+$0x10];
	v6 =	vsub.s32 v6, v0;
	vm0 =	vlt.u32 v5, $0x8000  }
0x48: {  	v12 =	vld [tilespmem:s10+$0x0];
	vm1 =	vlt.u32 v6, $0x8000;
	v5 =	vnsel vm0, $0x0, v5  }
0x49: {  	vm3 =	vlt.u32 v3, $0x8000;
	v7 =	vsub.s32 v7, v0;
	v13 =	vld [tilespmem:s10+$0xFFFFFFF0];
	v8 =	vsub.s32 v8, v0  }
0x4a: {  	v3 =	vnsel vm3, $0x0, v3;
	v14 =	vld [tilespmem:s10+$0xFFFFFFE0];
	v9 =	vsub.s32 v9, v0;
	vm7 =	vlt.u32 v8, $0x8000  }
0x4b: {  	v15 =	vld [tilespmem:s10+$0xFFFFFFD0];
	v10 =	vsub.s32 v10, v0;
	vm8 =	vlt.u32 v9, $0x8000;
	v8 =	vnsel vm7, $0x0, v8  }
0x4c: {  	vm9 =	vlt.u32 v7, $0x8000;
	v16 =	vld [tilespmem:s10+$0xFFFFFFC0];
	v11 =	vsub.s32 v11, v0;
	v9 =	vnsel vm8, $0x0, v9  }
0x4d: {  	v6 =	vnsel vm1, $0x0, v6;
	v7 =	vnsel vm9, $0x0, v7;
	vm2 =	vlt.u32 v10, $0x8000;
	[tilespmem:v5+s7+$0x0] =	vst.idx.add.f32.msk vm0, v2  }
0x4e: {  	v12 =	vsub.s32 v12, v0;
	vm6 =	vlt.u32 v11, $0x8000;
	v5 =	vld [tilespmem:s10+$0xFFFFFFA0];
	v13 =	vsub.s32 v13, v0  }
0x4f: {  	vm0 =	vlt.u32 v12, $0x8000;
	v17 =	vld [tilespmem:s10+$0xFFFFFF90];
	v14 =	vsub.s32 v14, v0;
	vm5 =	vlt.u32 v13, $0x8000  }
0x50: {  	v11 =	vnsel vm6, $0x0, v11;
	vm4 =	vlt.u32 v14, $0x8000;
	v13 =	vnsel vm5, $0x0, v13;
	[tilespmem:v8+s7+$0x0] =	vst.idx.add.f32.msk vm7, v2  }
0x51: {  	v10 =	vnsel vm2, $0x0, v10;
	v8 =	vsub.s32 v16, v0;
	v14 =	vnsel vm4, $0x0, v14;
	[tilespmem:v9+s7+$0x0] =	vst.idx.add.f32.msk vm8, v2  }
0x52: {  	v4 =	vsub.s32 v4, v0;
	v9 =	vsub.s32 v15, v0;
	vm7 =	vlt.u32 v8, $0x8000;
	[tilespmem:v7+s7+$0x0] =	vst.idx.add.f32.msk vm9, v2  }
0x53: {  	vm8 =	vlt.u32 v9, $0x8000;
	[tilespmem:v3+s7+$0x0] =	vst.idx.add.f32.msk vm3, v2;
	vm3 =	vlt.u32 v4, $0x8000;
	v7 =	vnsel vm7, $0x0, v8  }
0x54: {  	v9 =	vnsel vm8, $0x0, v9;
	v8 =	vsub.s32 v17, v0;
	v3 =	vnsel vm3, $0x0, v4;
	[tilespmem:v6+s7+$0x0] =	vst.idx.add.f32.msk vm1, v2  }
0x55: {  	v6 =	vsub.s32 v5, v0;
	v4 =	vnsel vm0, $0x0, v12;
	vm1 =	vlt.u32 v8, $0x8000;
	[tilespmem:v11+s7+$0x0] =	vst.idx.add.f32.msk vm6, v2  }
.Ltmp1:
0x56: {  	vm6 =	vlt.u32 v6, $0x8000;
	v5 =	vnsel vm1, $0x0, v8;
	[tilespmem:v13+s7+$0x0] =	vst.idx.add.f32.msk vm5, v2;
	(pc) =	sbr.rel @p0 .LBB2_4-.Ltmp1, $4  }
0x57: {  	v6 =	vnsel vm6, $0x0, v6;
	[tilespmem:v14+s7+$0x0] =	vst.idx.add.f32.msk vm4, v2  }
0x58: {  	[tilespmem:v10+s7+$0x0] =	vst.idx.add.f32.msk vm2, v2  }
0x59: {  	[tilespmem:v7+s7+$0x0] =	vst.idx.add.f32.msk vm7, v2  }
0x5a: {  	[tilespmem:v9+s7+$0x0] =	vst.idx.add.f32.msk vm8, v2  }
0x5b: {  	_ =	sdelay $0x4  }
0x5c: {  	[tilespmem:v3+s7+$0x0] =	vst.idx.add.f32.msk vm3, v2  }
0x5d: {  	[tilespmem:v6+s7+$0x0] =	vst.idx.add.f32.msk vm6, v2;
	s9 =	sadd.s32 $0x1, s9  }
0x5e: {  	[tilespmem:v5+s7+$0x0] =	vst.idx.add.f32.msk vm1, v2;
	p0 =	sne.s32 s9, s5  }
.Ltmp2:
0x5f: {  	[tilespmem:v4+s7+$0x0] =	vst.idx.add.f32.msk vm0, v2;
	(pc) =	sbr.rel @p0 .LBB2_1-.Ltmp2, $4  }
0x60: {  	[hbm4b:s4+s2] =	stream.linear.scatter [tilespmem:s7], [sflag:$0x2], $0x8000, $0x38;
	[tilespmem:$0x18000] =	vst v63  }
0x61: {  	_ =	swait.ge [sflag:s8], $0x8000  }
0x62: {  	[sflag:s8] =	ssyncset.done $0x0  }
0x63: {  	[sflag:s8] =	ssyncadd.s32 $0xFFFF8000  }
0x64: {  	_ =	sfence.sel $0x180000  }
0x65: {  	[bflag:$0x0] =	sbarrier.arrive $0xFFFF  }
0x66: {  	p0 =	sne.s32 s1, $0x0;
	_ =	strace $0x90000047  }
0x67: {  	s0 =	sadd.s32 @!p0 $0x100000, s0;
	[bflag:$0x2] =	sbarrier.arrive $0xFFFF  }
0x68: {  	[sflag:s0] =	ssyncadd.tile.s32 @!p0 $0x1;
	_ =	shalt  }
.Lfunc_end2:
_tile_overlayer_lowered:
.L_overlay_start_2:
0x69: {  	(tag) =	ssettag $0x2  }
0x6a: {  	s0 =	rddreg [dreg:$0x0];
	s2 =	stileid.u32  }
0x6b: {  	s1 =	rddreg [dreg:$0x1];
	p0 =	sne.s32 s2, $0x0  }
0x6c: {  	s3 =	rddreg [dreg:$0x2];
	[bflag:$0x3] =	sbarrier.arrive $0xFFFF;
	s2 =	simm.s32 @!p0 $0x1C02  }
0x6d: {  	[timem:s3], [sflag:s2] =	dma.local @!p0 [hbm:s0], s1  }
0x6e: {  	s0 =	simm.s32 @!p0 $0x2  }
0x6f: {  	_ =	swait.ge @!p0 [sflag:s0], s1  }
0x70: {  	s1 =	ssub.s32 @!p0 $0x0, s1;
	[sflag:s0] =	ssyncset.done @!p0 $0x0  }
0x71: {  	[sflag:s0] =	ssyncadd.s32 @!p0 s1  }
0x72: {  	[bflag:$0x3] =	sbarrier.arrive $0xFFFF  }
0x73: {  	_ =	shalt  }

</sc_bundles>
